<compile_context>
chip_gen: v7x
topology: tpu7x:2x2x1
jax: 0.10.2.dev20260603
libtpu: 0.0.44.dev20260713+nightly
codegen_flags: <defaults>
</compile_context>

<pallas_src>
import functools

import jax
import jax.numpy as jnp
from jax import lax
from jax.experimental import pallas as pl
from jax.experimental.pallas import tpu as pltpu
from jax.experimental.pallas import tpu_sc as plsc

N = 10000
E = 320000
_NPAD = 10240
DIN = 128
HID = 256
G = 64
NC = 2
NS = 16
F32 = jnp.float32
I32 = jnp.int32

_KD = 80
_NCD = (E // (NC * NS)) // _KD

_deg_mesh = plsc.VectorSubcoreMesh(core_axis_name="c", subcore_axis_name="s", num_cores=NC, num_subcores=NS)


@functools.partial(
    pl.kernel,
    out_type=jax.ShapeDtypeStruct((NC, _NPAD, DIN), F32),
    mesh=_deg_mesh,
    scratch_types=[
        pltpu.VMEM((_NCD, _KD), I32),
        pltpu.VMEM((_KD, DIN), F32),
        pltpu.VMEM_SHARED((_NPAD, DIN), F32),
    ],
)
def _deg_kernel(dst_r, ones_r, z2_r, out_r, dstv, onesv, acc):
    c = lax.axis_index("c")
    s = lax.axis_index("s")
    w = c * NS + s
    rpt = _NPAD // NS
    pltpu.sync_copy(z2_r.at[pl.ds(rpt * s, rpt)], acc.at[pl.ds(rpt * s, rpt)])
    pltpu.sync_copy(dst_r.at[w], dstv)
    pltpu.sync_copy(ones_r, onesv)
    plsc.subcore_barrier()

    def body(j, carry):
        pltpu.sync_copy(onesv, acc.at[dstv.at[j]], add=True)
        return carry

    lax.fori_loop(0, _NCD, body, 0)
    plsc.subcore_barrier()
    pltpu.sync_copy(acc.at[pl.ds(rpt * s, rpt)], out_r.at[c, pl.ds(rpt * s, rpt)])


_CPG = 25


def _build_agg(edge_split: bool):
    ept = E // (NC * NS) if edge_split else E // NS
    _K = 80
    _EPG = _CPG * _K
    grp = ept // _EPG
    rpt = _NPAD // NS
    mesh = plsc.VectorSubcoreMesh(core_axis_name="c", subcore_axis_name="s", num_cores=NC, num_subcores=NS)

    @functools.partial(
        pl.kernel,
        out_type=jax.ShapeDtypeStruct((NC, _NPAD, DIN), F32),
        mesh=mesh,
        scratch_types=[
            pltpu.VMEM((_EPG,), I32),
            pltpu.VMEM((_CPG, _K), I32),
            pltpu.VMEM((_K, DIN), F32),
            pltpu.VMEM_SHARED((_NPAD, DIN), F32),
            pltpu.SemaphoreType.DMA,
        ],
    )
    def agg(tab_r, src_r, dst_r, z2_r, out_r, sv, dv, r0, acc, s0):
        c = lax.axis_index("c")
        s = lax.axis_index("s")
        w = c * NS + s if edge_split else s
        pltpu.sync_copy(z2_r.at[pl.ds(rpt * s, rpt)], acc.at[pl.ds(rpt * s, rpt)])
        plsc.subcore_barrier()
        off = c * N

        def gath(j):
            return tab_r.at[sv.at[pl.ds(j * _K, _K)]]

        def group(g, carry):
            pltpu.sync_copy(src_r.at[w, g], sv)
            pltpu.sync_copy(dst_r.at[w, g], dv)
            if not edge_split:
                def addoff(i, cy):
                    v = sv[pl.ds(i * 16, 16)]
                    sv[pl.ds(i * 16, 16)] = v + off
                    return cy

                lax.fori_loop(0, _EPG // 16, addoff, 0)

            def body(j, cy):
                pltpu.sync_copy(gath(j), r0)
                pltpu.sync_copy(r0, acc.at[dv.at[j]], add=True)
                return cy

            lax.fori_loop(0, _CPG, body, 0)
            return carry

        lax.fori_loop(0, grp, group, 0)
        plsc.subcore_barrier()
        pltpu.sync_copy(acc.at[pl.ds(rpt * s, rpt)], out_r.at[c, pl.ds(rpt * s, rpt)])

    return agg


_agg_edge = _build_agg(True)
_agg_col = _build_agg(False)

_PREC = lax.Precision.HIGHEST


def _mm(a, b):
    return jnp.dot(a, b, precision=_PREC, preferred_element_type=F32)


def _b_body(degp, x, c2d_o, u0_o):
    dp = degp[...]
    deg = dp[0] + dp[1] + 1.0
    c = lax.rsqrt(deg)
    c2d_o[...] = c
    u0_o[...] = x[...] * c


def _b_kernel(degp, x):
    return pl.pallas_call(
        _b_body,
        out_shape=[
            jax.ShapeDtypeStruct((N, 1), F32),
            jax.ShapeDtypeStruct((N, DIN), F32),
        ],
    )(degp, x)


_RB = 1000
_NG = N // _RB


def _d1_body(p, u0, c2, w1, b1, o):
    cc = c2[...]
    t = (p[0] + p[1] + u0[...]) * cc
    h = jnp.maximum(_mm(t, w1[...]) + b1[...], 0.0)
    u = h * cc
    o[...] = jnp.stack([u[:, :DIN], u[:, DIN:]])


def _d1(p, u0, c2, w1, b1):
    return pl.pallas_call(
        _d1_body,
        grid=(_NG,),
        in_specs=[
            pl.BlockSpec((NC, _RB, DIN), lambda i: (0, i, 0)),
            pl.BlockSpec((_RB, DIN), lambda i: (i, 0)),
            pl.BlockSpec((_RB, 1), lambda i: (i, 0)),
            pl.BlockSpec((DIN, HID), lambda i: (0, 0)),
            pl.BlockSpec((1, HID), lambda i: (0, 0)),
        ],
        out_specs=pl.BlockSpec((NC, _RB, DIN), lambda i: (0, i, 0)),
        out_shape=jax.ShapeDtypeStruct((NC, N, DIN), F32),
    )(p, u0, c2, w1, b1)


def _d2_body(a, up, c2, wl, wr, b, o):
    cc = c2[...]
    tl = (a[0] + up[0]) * cc
    tr = (a[1] + up[1]) * cc
    h = jnp.maximum(_mm(tl, wl[...]) + _mm(tr, wr[...]) + b[...], 0.0)
    u = h * cc
    o[...] = jnp.stack([u[:, :DIN], u[:, DIN:]])


def _d2(a, up, c2, wl, wr, b):
    return pl.pallas_call(
        _d2_body,
        grid=(_NG,),
        in_specs=[
            pl.BlockSpec((NC, _RB, DIN), lambda i: (0, i, 0)),
            pl.BlockSpec((NC, _RB, DIN), lambda i: (0, i, 0)),
            pl.BlockSpec((_RB, 1), lambda i: (i, 0)),
            pl.BlockSpec((DIN, HID), lambda i: (0, 0)),
            pl.BlockSpec((DIN, HID), lambda i: (0, 0)),
            pl.BlockSpec((1, HID), lambda i: (0, 0)),
        ],
        out_specs=pl.BlockSpec((NC, _RB, DIN), lambda i: (0, i, 0)),
        out_shape=jax.ShapeDtypeStruct((NC, N, DIN), F32),
    )(a, up, c2, wl, wr, b)


def _d3_body(a, up, c2, bt, wl, wr, b, wfc, bfc, wp, bp, o, pooled, cnt):
    i = pl.program_id(0)
    cc = c2[...]
    tl = (a[0] + up[0]) * cc
    tr = (a[1] + up[1]) * cc
    h3 = _mm(tl, wl[...]) + _mm(tr, wr[...]) + b[...]

    gids = lax.broadcasted_iota(I32, (1, G), 1)
    oh = (bt[...] == gids).astype(F32)
    dn = (((0,), (0,)), ((), ()))

    @pl.when(i == 0)
    def _init():
        pooled[...] = jnp.zeros((G, HID), F32)
        cnt[...] = jnp.zeros((G, 1), F32)

    pooled[...] += lax.dot_general(oh, h3, dn, precision=_PREC,
                                   preferred_element_type=F32)
    cnt[...] += lax.dot_general(oh, jnp.ones((_RB, 1), F32), dn,
                                precision=_PREC, preferred_element_type=F32)

    @pl.when(i == _NG - 1)
    def _head():
        pm = pooled[...] / jnp.maximum(cnt[...], 1.0)
        o1 = _mm(pm, wfc[...]) + bfc[...]
        o2 = _mm(o1, wp[...]) + bp[...]
        o[...] = jax.nn.sigmoid(o2)


def _d3(a, up, c2, bt, wl, wr, b, wfc, bfc, wp, bp):
    return pl.pallas_call(
        _d3_body,
        grid=(_NG,),
        in_specs=[
            pl.BlockSpec((NC, _RB, DIN), lambda i: (0, i, 0)),
            pl.BlockSpec((NC, _RB, DIN), lambda i: (0, i, 0)),
            pl.BlockSpec((_RB, 1), lambda i: (i, 0)),
            pl.BlockSpec((_RB, 1), lambda i: (i, 0)),
            pl.BlockSpec((DIN, HID), lambda i: (0, 0)),
            pl.BlockSpec((DIN, HID), lambda i: (0, 0)),
            pl.BlockSpec((1, HID), lambda i: (0, 0)),
            pl.BlockSpec((HID, G), lambda i: (0, 0)),
            pl.BlockSpec((1, G), lambda i: (0, 0)),
            pl.BlockSpec((G, 1), lambda i: (0, 0)),
            pl.BlockSpec((1, 1), lambda i: (0, 0)),
        ],
        out_specs=pl.BlockSpec((G, 1), lambda i: (0, 0)),
        out_shape=jax.ShapeDtypeStruct((G, 1), F32),
        scratch_shapes=[
            pltpu.VMEM((G, HID), F32),
            pltpu.VMEM((G, 1), F32),
        ],
    )(a, up, c2, bt, wl, wr, b, wfc, bfc, wp, bp)


def kernel(x, edge_index, batch, W_emb, b_emb, W1, b1, W2, b2, W3, b3,
           Wfc1, bfc1, Wp, bp):
    del W_emb, b_emb
    src = edge_index[0].astype(I32)
    dst = edge_index[1].astype(I32)
    src_e = src.reshape(NC * NS, 5, 2000)
    dst_e = dst.reshape(NC * NS, 5, _CPG, 80)
    src_c = src.reshape(NS, 10, 2000)
    dst_c = dst.reshape(NS, 10, _CPG, 80)
    z2 = jnp.zeros((_NPAD, DIN), F32)

    dst_a = dst.reshape(NC * NS, _NCD, _KD)
    ones_d = jnp.ones((_KD, DIN), F32)
    degp = _deg_kernel(dst_a, ones_d, z2)[:, :N, 0:1]
    c2d, u0 = _b_kernel(degp, x)

    p1 = _agg_edge(u0, src_e, dst_e, z2)[:, :N, :]
    un1 = _d1(p1, u0, c2d, W1, b1.reshape(1, HID))

    a2 = _agg_col(un1.reshape(2 * N, DIN), src_c, dst_c, z2)[:, :N, :]
    un2 = _d2(a2, un1, c2d, W2[:DIN], W2[DIN:], b2.reshape(1, HID))

    a3 = _agg_col(un2.reshape(2 * N, DIN), src_c, dst_c, z2)[:, :N, :]
    out = _d3(a3, un2, c2d, batch.astype(I32).reshape(N, 1),
              W3[:DIN], W3[DIN:], b3.reshape(1, HID),
              Wfc1, bfc1.reshape(1, G), Wp, bp.reshape(1, 1))
    return out

# --- scband reference (transcript-rebuilt; emitter-appended) ---
"""Pipeline reference for scband-histo-gcn-31937376813166 (READ-ONLY COPY).

The authoritative reference and input builder live on the scoring server;
editing this copy changes nothing except your own understanding.
"""

import jax, jax.numpy as jnp
import numpy as np

N_NODES = 10000
N_EDGES = 320000
D_IN = 128
HID = 256
N_GRAPHS = 64


def gcn_conv(x, W, b, src, dst, num_nodes):
    loop = jnp.arange(num_nodes)
    s = jnp.concatenate([src, loop])
    d = jnp.concatenate([dst, loop])
    deg = jnp.zeros((num_nodes,), dtype=x.dtype).at[d].add(1.0)
    dinv = jnp.where(deg > 0, deg ** -0.5, 0.0)
    norm = dinv[s] * dinv[d]
    h = x @ W
    msg = h[s] * norm[:, None]
    out = jnp.zeros((num_nodes, h.shape[1]), dtype=h.dtype).at[d].add(msg)
    return out + b


def setup_inputs(seed: int = 0) -> dict:
    key = jax.random.key(seed)
    ks = jax.random.split(key, 16)
    x = jax.random.normal(ks[0], (N_NODES, D_IN), dtype=jnp.float32)
    edge_index = jax.random.randint(ks[1], (2, N_EDGES), 0, N_NODES, dtype=jnp.int64)
    batch = jnp.sort(jax.random.randint(ks[2], (N_NODES,), 0, N_GRAPHS, dtype=jnp.int64))
    def lin(k, fan_in, fan_out):
        bound = 1.0 / np.sqrt(fan_in)
        kw, kb = jax.random.split(k)
        W = jax.random.uniform(kw, (fan_in, fan_out), minval=-bound, maxval=bound, dtype=jnp.float32)
        b = jax.random.uniform(kb, (fan_out,), minval=-bound, maxval=bound, dtype=jnp.float32)
        return W, b
    W_emb, b_emb = lin(ks[3], D_IN, 128)
    W1, b1 = lin(ks[4], D_IN, HID)
    W2, b2 = lin(ks[5], HID, HID)
    W3, b3 = lin(ks[6], HID, HID)
    Wfc1, bfc1 = lin(ks[7], HID, 64)
    Wp, bp = lin(ks[8], 64, 1)
    return {"x": x, "edge_index": edge_index, "batch": batch,
            "W_emb": W_emb, "b_emb": b_emb, "W1": W1, "b1": b1,
            "W2": W2, "b2": b2, "W3": W3, "b3": b3,
            "Wfc1": Wfc1, "bfc1": bfc1, "Wp": Wp, "bp": bp}


def reference(x, edge_index, batch, W_emb, b_emb, W1, b1, W2, b2, W3, b3, Wfc1, bfc1, Wp, bp):
    num_nodes = x.shape[0]
    src, dst = edge_index[0], edge_index[1]
    embedded = x @ W_emb + b_emb  # computed in original forward but unused downstream
    h = gcn_conv(x, W1, b1, src, dst, num_nodes)
    h = jax.nn.relu(h)
    h = gcn_conv(h, W2, b2, src, dst, num_nodes)
    h = jax.nn.relu(h)
    h = gcn_conv(h, W3, b3, src, dst, num_nodes)
    # global mean pool over graph ids
    summed = jax.ops.segment_sum(h, batch, num_segments=N_GRAPHS)
    counts = jax.ops.segment_sum(jnp.ones((num_nodes,), dtype=h.dtype), batch, num_segments=N_GRAPHS)
    pooled = summed / jnp.clip(counts, 1.0)[:, None]
    # dropout omitted for deterministic reference (identity in expectation scaling handled by eval semantics)
    out = pooled @ Wfc1 + bfc1
    out = out @ Wp + bp
    return jax.nn.sigmoid(out)

if __name__ == "__main__":
    import jax
    _d = setup_inputs()
    print(jax.jit(kernel)(*tuple(_d.values())))

</pallas_src>

<mosaic_0001>
#map = affine_map<(d0, d1) -> (0, 0)>
#map1 = affine_map<(d0, d1) -> (0, 0, 0)>
#map2 = affine_map<(d0, d1) -> (0, 0, 0, 0)>
module attributes {stable_mosaic.version = 14 : i64} {
  func.func @agg(%arg0: i32, %arg1: i32, %arg2: memref<10000x128xf32, #tpu.memory_space<hbm>>, %arg3: memref<32x5x2000xi32, #tpu.memory_space<hbm>>, %arg4: memref<32x5x25x80xi32, #tpu.memory_space<hbm>>, %arg5: memref<10240x128xf32, #tpu.memory_space<hbm>>, %arg6: memref<2x10240x128xf32, #tpu.memory_space<hbm>>, %arg7: memref<2000xi32, #tpu.memory_space<vmem>>, %arg8: memref<25x80xi32, #tpu.memory_space<vmem>>, %arg9: memref<80x128xf32, #tpu.memory_space<vmem>>, %arg10: memref<10240x128xf32, #tpu.memory_space<vmem_shared>>, %arg11: memref<!tpu.dma_semaphore, #tpu.memory_space<semaphore_mem>>) attributes {dimension_semantics = [#tpu.dimension_semantics<core_parallel>, #tpu.dimension_semantics<subcore_parallel>], iteration_bounds = array<i64: 2, 16>, scalar_prefetch = 0 : i64, scratch_operands = 5 : i64, tpu.core_type = #tpu.core_type<sc_vector_subcore>, window_params = [{transform_indices = #map}, {transform_indices = #map1}, {transform_indices = #map2}, {transform_indices = #map}, {transform_indices = #map1}]} {
    %mul3A = arith.constant 16 : i32
    %mul3A_0 = arith.muli %arg0, %mul3A : i32
    %add3A = arith.addi %mul3A_0, %arg1 : i32
    %mul3A_1 = arith.constant 640 : i32
    %mul3A_2 = arith.muli %mul3A_1, %arg1 : i32
    %mul3A_3 = arith.constant 640 : i32
    %mul3A_4 = arith.muli %mul3A_3, %arg1 : i32
    "tpu.region"() ({
      %run_scoped3A = tpu.sem_alloc : memref<!tpu.dma_semaphore, #tpu.memory_space<semaphore_mem>>
      %dma_start3A = arith.constant 0 : i32
      %dma_start3A_17 = tpu.memref_slice %arg10[%mul3A_4, %dma_start3A] : memref<10240x128xf32, #tpu.memory_space<vmem_shared>> -> memref<640x128xf32, #tpu.memory_space<vmem_shared>>
      %dma_start3A_18 = arith.constant 0 : i32
      %dma_start3A_19 = tpu.memref_slice %arg5[%mul3A_2, %dma_start3A_18] : memref<10240x128xf32, #tpu.memory_space<hbm>> -> memref<640x128xf32, #tpu.memory_space<hbm>>
      tpu.enqueue_dma source(%dma_start3A_19 : memref<640x128xf32, #tpu.memory_space<hbm>>) target(%dma_start3A_17 : memref<640x128xf32, #tpu.memory_space<vmem_shared>>) target_semaphore(%run_scoped3A : memref<!tpu.dma_semaphore, #tpu.memory_space<semaphore_mem>>)
      %dma_wait3A = arith.constant 0 : i32
      %dma_wait3A_20 = tpu.memref_slice %arg10[%mul3A_4, %dma_wait3A] : memref<10240x128xf32, #tpu.memory_space<vmem_shared>> -> memref<640x128xf32, #tpu.memory_space<vmem_shared>>
      %dma_wait3A_21 = arith.constant 0 : i32
      %dma_wait3A_22 = tpu.memref_slice %arg5[%mul3A_2, %dma_wait3A_21] : memref<10240x128xf32, #tpu.memory_space<hbm>> -> memref<640x128xf32, #tpu.memory_space<hbm>>
      tpu.wait_dma2 semaphore(%run_scoped3A : memref<!tpu.dma_semaphore, #tpu.memory_space<semaphore_mem>>) src(%dma_wait3A_22 : memref<640x128xf32, #tpu.memory_space<hbm>>) dst(%dma_wait3A_20 : memref<640x128xf32, #tpu.memory_space<vmem_shared>>)
      tpu.yield
    }) : () -> ()
    %barrier3A = arith.constant 0 : index
    tpu.barrier barrier_id(%barrier3A)
    %mul3A_5 = arith.constant 10000 : i32
    %mul3A_6 = arith.muli %arg0, %mul3A_5 : i32
    %scan3A = arith.constant 0 : i32
    %scan3A_7 = arith.constant 0 : i32
    %scan3A_8 = arith.constant 5 : i32
    %scan3A_9 = arith.addi %scan3A_7, %scan3A_8 : i32
    %scan3A_10 = arith.constant 1 : i32
    scf.for %scan3A_17 = %scan3A_7 to %scan3A_9 step %scan3A_10  : i32 {
      "tpu.region"() ({
        %run_scoped3A = tpu.sem_alloc : memref<!tpu.dma_semaphore, #tpu.memory_space<semaphore_mem>>
        %dma_start3A = arith.constant 0 : i32
        %dma_start3A_24 = tpu.memref_slice %arg3[%add3A, %scan3A_17, %dma_start3A] : memref<32x5x2000xi32, #tpu.memory_space<hbm>> -> memref<1x1x2000xi32, #tpu.memory_space<hbm>>
        %dma_start3A_25 = tpu.memref_squeeze %dma_start3A_24 : memref<1x1x2000xi32, #tpu.memory_space<hbm>> -> memref<2000xi32, #tpu.memory_space<hbm>>
        %dma_start3A_26 = arith.constant 0 : i32
        %dma_start3A_27 = tpu.memref_slice %arg3[%add3A, %scan3A_17, %dma_start3A_26] : memref<32x5x2000xi32, #tpu.memory_space<hbm>> -> memref<1x1x2000xi32, #tpu.memory_space<hbm>>
        %dma_start3A_28 = tpu.memref_squeeze %dma_start3A_27 : memref<1x1x2000xi32, #tpu.memory_space<hbm>> -> memref<2000xi32, #tpu.memory_space<hbm>>
        tpu.enqueue_dma source(%dma_start3A_28 : memref<2000xi32, #tpu.memory_space<hbm>>) target(%arg7 : memref<2000xi32, #tpu.memory_space<vmem>>) target_semaphore(%run_scoped3A : memref<!tpu.dma_semaphore, #tpu.memory_space<semaphore_mem>>)
        %dma_wait3A = arith.constant 0 : i32
        %dma_wait3A_29 = tpu.memref_slice %arg3[%add3A, %scan3A_17, %dma_wait3A] : memref<32x5x2000xi32, #tpu.memory_space<hbm>> -> memref<1x1x2000xi32, #tpu.memory_space<hbm>>
        %dma_wait3A_30 = tpu.memref_squeeze %dma_wait3A_29 : memref<1x1x2000xi32, #tpu.memory_space<hbm>> -> memref<2000xi32, #tpu.memory_space<hbm>>
        %dma_wait3A_31 = arith.constant 0 : i32
        %dma_wait3A_32 = tpu.memref_slice %arg3[%add3A, %scan3A_17, %dma_wait3A_31] : memref<32x5x2000xi32, #tpu.memory_space<hbm>> -> memref<1x1x2000xi32, #tpu.memory_space<hbm>>
        %dma_wait3A_33 = tpu.memref_squeeze %dma_wait3A_32 : memref<1x1x2000xi32, #tpu.memory_space<hbm>> -> memref<2000xi32, #tpu.memory_space<hbm>>
        tpu.wait_dma2 semaphore(%run_scoped3A : memref<!tpu.dma_semaphore, #tpu.memory_space<semaphore_mem>>) src(%dma_wait3A_33 : memref<2000xi32, #tpu.memory_space<hbm>>) dst(%arg7 : memref<2000xi32, #tpu.memory_space<vmem>>)
        tpu.yield
      }) : () -> ()
      "tpu.region"() ({
        %run_scoped3A = tpu.sem_alloc : memref<!tpu.dma_semaphore, #tpu.memory_space<semaphore_mem>>
        %dma_start3A = arith.constant 0 : i32
        %dma_start3A_24 = arith.constant 0 : i32
        %dma_start3A_25 = tpu.memref_slice %arg4[%add3A, %scan3A_17, %dma_start3A, %dma_start3A_24] : memref<32x5x25x80xi32, #tpu.memory_space<hbm>> -> memref<1x1x25x80xi32, #tpu.memory_space<hbm>>
        %dma_start3A_26 = tpu.memref_squeeze %dma_start3A_25 : memref<1x1x25x80xi32, #tpu.memory_space<hbm>> -> memref<25x80xi32, #tpu.memory_space<hbm>>
        %dma_start3A_27 = arith.constant 0 : i32
        %dma_start3A_28 = arith.constant 0 : i32
        %dma_start3A_29 = tpu.memref_slice %arg4[%add3A, %scan3A_17, %dma_start3A_27, %dma_start3A_28] : memref<32x5x25x80xi32, #tpu.memory_space<hbm>> -> memref<1x1x25x80xi32, #tpu.memory_space<hbm>>
        %dma_start3A_30 = tpu.memref_squeeze %dma_start3A_29 : memref<1x1x25x80xi32, #tpu.memory_space<hbm>> -> memref<25x80xi32, #tpu.memory_space<hbm>>
        tpu.enqueue_dma source(%dma_start3A_30 : memref<25x80xi32, #tpu.memory_space<hbm>>) target(%arg8 : memref<25x80xi32, #tpu.memory_space<vmem>>) target_semaphore(%run_scoped3A : memref<!tpu.dma_semaphore, #tpu.memory_space<semaphore_mem>>)
        %dma_wait3A = arith.constant 0 : i32
        %dma_wait3A_31 = arith.constant 0 : i32
        %dma_wait3A_32 = tpu.memref_slice %arg4[%add3A, %scan3A_17, %dma_wait3A, %dma_wait3A_31] : memref<32x5x25x80xi32, #tpu.memory_space<hbm>> -> memref<1x1x25x80xi32, #tpu.memory_space<hbm>>
        %dma_wait3A_33 = tpu.memref_squeeze %dma_wait3A_32 : memref<1x1x25x80xi32, #tpu.memory_space<hbm>> -> memref<25x80xi32, #tpu.memory_space<hbm>>
        %dma_wait3A_34 = arith.constant 0 : i32
        %dma_wait3A_35 = arith.constant 0 : i32
        %dma_wait3A_36 = tpu.memref_slice %arg4[%add3A, %scan3A_17, %dma_wait3A_34, %dma_wait3A_35] : memref<32x5x25x80xi32, #tpu.memory_space<hbm>> -> memref<1x1x25x80xi32, #tpu.memory_space<hbm>>
        %dma_wait3A_37 = tpu.memref_squeeze %dma_wait3A_36 : memref<1x1x25x80xi32, #tpu.memory_space<hbm>> -> memref<25x80xi32, #tpu.memory_space<hbm>>
        tpu.wait_dma2 semaphore(%run_scoped3A : memref<!tpu.dma_semaphore, #tpu.memory_space<semaphore_mem>>) src(%dma_wait3A_37 : memref<25x80xi32, #tpu.memory_space<hbm>>) dst(%arg8 : memref<25x80xi32, #tpu.memory_space<vmem>>)
        tpu.yield
      }) : () -> ()
      %scan3A_18 = arith.constant 0 : i32
      %scan3A_19 = arith.constant 0 : i32
      %scan3A_20 = arith.constant 25 : i32
      %scan3A_21 = arith.addi %scan3A_19, %scan3A_20 : i32
      %scan3A_22 = arith.constant 1 : i32
      scf.for %scan3A_24 = %scan3A_19 to %scan3A_21 step %scan3A_22  : i32 {
        %mul3A_25 = arith.constant 80 : i32
        %mul3A_26 = arith.muli %scan3A_24, %mul3A_25 : i32
        "tpu.region"() ({
          %run_scoped3A = tpu.sem_alloc : memref<!tpu.dma_semaphore, #tpu.memory_space<semaphore_mem>>
          %dma_start3A = tpu.memref_slice %arg7[%mul3A_26] : memref<2000xi32, #tpu.memory_space<vmem>> -> memref<80xi32, #tpu.memory_space<vmem>>
          %dma_start3A_27 = arith.constant 0 : i32
          %dma_start3A_28 = arith.constant 0 : i32
          %dma_start3A_29 = tpu.memref_slice %arg2[%dma_start3A_27, %dma_start3A_28] : memref<10000x128xf32, #tpu.memory_space<hbm>> -> memref<10000x128xf32, #tpu.memory_space<hbm>>
          tpu.enqueue_indirect_dma source(%dma_start3A_29 : memref<10000x128xf32, #tpu.memory_space<hbm>>) target(%arg9 : memref<80x128xf32, #tpu.memory_space<vmem>>) offsets(%dma_start3A : memref<80xi32, #tpu.memory_space<vmem>>) semaphore(%run_scoped3A : memref<!tpu.dma_semaphore, #tpu.memory_space<semaphore_mem>>)
          %dma_wait3A = tpu.memref_slice %arg7[%mul3A_26] : memref<2000xi32, #tpu.memory_space<vmem>> -> memref<80xi32, #tpu.memory_space<vmem>>
          %dma_wait3A_30 = arith.constant 0 : i32
          %dma_wait3A_31 = arith.constant 0 : i32
          %dma_wait3A_32 = tpu.memref_slice %arg2[%dma_wait3A_30, %dma_wait3A_31] : memref<10000x128xf32, #tpu.memory_space<hbm>> -> memref<10000x128xf32, #tpu.memory_space<hbm>>
          tpu.wait_indirect_dma semaphore(%run_scoped3A : memref<!tpu.dma_semaphore, #tpu.memory_space<semaphore_mem>>) src(%dma_wait3A_32 : memref<10000x128xf32, #tpu.memory_space<hbm>>) dst(%arg9 : memref<80x128xf32, #tpu.memory_space<vmem>>)
          tpu.yield
        }) : () -> ()
        "tpu.region"() ({
          %run_scoped3A = tpu.sem_alloc : memref<!tpu.dma_semaphore, #tpu.memory_space<semaphore_mem>>
          %dma_start3A = arith.constant 0 : i32
          %dma_start3A_27 = tpu.memref_slice %arg8[%scan3A_24, %dma_start3A] : memref<25x80xi32, #tpu.memory_space<vmem>> -> memref<1x80xi32, #tpu.memory_space<vmem>>
          %dma_start3A_28 = tpu.memref_squeeze %dma_start3A_27 : memref<1x80xi32, #tpu.memory_space<vmem>> -> memref<80xi32, #tpu.memory_space<vmem>>
          %dma_start3A_29 = arith.constant 0 : i32
          %dma_start3A_30 = arith.constant 0 : i32
          %dma_start3A_31 = tpu.memref_slice %arg10[%dma_start3A_29, %dma_start3A_30] : memref<10240x128xf32, #tpu.memory_space<vmem_shared>> -> memref<10240x128xf32, #tpu.memory_space<vmem_shared>>
          tpu.enqueue_indirect_dma source(%arg9 : memref<80x128xf32, #tpu.memory_space<vmem>>) target(%dma_start3A_31 : memref<10240x128xf32, #tpu.memory_space<vmem_shared>>) offsets(%dma_start3A_28 : memref<80xi32, #tpu.memory_space<vmem>>) semaphore(%run_scoped3A : memref<!tpu.dma_semaphore, #tpu.memory_space<semaphore_mem>>) {add = true}
          %dma_wait3A = arith.constant 0 : i32
          %dma_wait3A_32 = tpu.memref_slice %arg8[%scan3A_24, %dma_wait3A] : memref<25x80xi32, #tpu.memory_space<vmem>> -> memref<1x80xi32, #tpu.memory_space<vmem>>
          %dma_wait3A_33 = tpu.memref_squeeze %dma_wait3A_32 : memref<1x80xi32, #tpu.memory_space<vmem>> -> memref<80xi32, #tpu.memory_space<vmem>>
          %dma_wait3A_34 = arith.constant 0 : i32
          %dma_wait3A_35 = arith.constant 0 : i32
          %dma_wait3A_36 = tpu.memref_slice %arg10[%dma_wait3A_34, %dma_wait3A_35] : memref<10240x128xf32, #tpu.memory_space<vmem_shared>> -> memref<10240x128xf32, #tpu.memory_space<vmem_shared>>
          tpu.wait_indirect_dma semaphore(%run_scoped3A : memref<!tpu.dma_semaphore, #tpu.memory_space<semaphore_mem>>) src(%arg9 : memref<80x128xf32, #tpu.memory_space<vmem>>) dst(%dma_wait3A_36 : memref<10240x128xf32, #tpu.memory_space<vmem_shared>>)
          tpu.yield
        }) : () -> ()
      }
      %scan3A_23 = arith.constant 25 : i32
    }
    %scan3A_11 = arith.constant 5 : i32
    %barrier3A_12 = arith.constant 0 : index
    tpu.barrier barrier_id(%barrier3A_12)
    %mul3A_13 = arith.constant 640 : i32
    %mul3A_14 = arith.muli %mul3A_13, %arg1 : i32
    %mul3A_15 = arith.constant 640 : i32
    %mul3A_16 = arith.muli %mul3A_15, %arg1 : i32
    "tpu.region"() ({
      %run_scoped3A = tpu.sem_alloc : memref<!tpu.dma_semaphore, #tpu.memory_space<semaphore_mem>>
      %dma_start3A = arith.constant 0 : i32
      %dma_start3A_17 = tpu.memref_slice %arg6[%arg0, %mul3A_16, %dma_start3A] : memref<2x10240x128xf32, #tpu.memory_space<hbm>> -> memref<1x640x128xf32, #tpu.memory_space<hbm>>
      %dma_start3A_18 = tpu.memref_squeeze %dma_start3A_17 : memref<1x640x128xf32, #tpu.memory_space<hbm>> -> memref<640x128xf32, #tpu.memory_space<hbm>>
      %dma_start3A_19 = arith.constant 0 : i32
      %dma_start3A_20 = tpu.memref_slice %arg10[%mul3A_14, %dma_start3A_19] : memref<10240x128xf32, #tpu.memory_space<vmem_shared>> -> memref<640x128xf32, #tpu.memory_space<vmem_shared>>
      tpu.enqueue_dma source(%dma_start3A_20 : memref<640x128xf32, #tpu.memory_space<vmem_shared>>) target(%dma_start3A_18 : memref<640x128xf32, #tpu.memory_space<hbm>>) target_semaphore(%run_scoped3A : memref<!tpu.dma_semaphore, #tpu.memory_space<semaphore_mem>>)
      %dma_wait3A = arith.constant 0 : i32
      %dma_wait3A_21 = tpu.memref_slice %arg6[%arg0, %mul3A_16, %dma_wait3A] : memref<2x10240x128xf32, #tpu.memory_space<hbm>> -> memref<1x640x128xf32, #tpu.memory_space<hbm>>
      %dma_wait3A_22 = tpu.memref_squeeze %dma_wait3A_21 : memref<1x640x128xf32, #tpu.memory_space<hbm>> -> memref<640x128xf32, #tpu.memory_space<hbm>>
      %dma_wait3A_23 = arith.constant 0 : i32
      %dma_wait3A_24 = tpu.memref_slice %arg10[%mul3A_14, %dma_wait3A_23] : memref<10240x128xf32, #tpu.memory_space<vmem_shared>> -> memref<640x128xf32, #tpu.memory_space<vmem_shared>>
      tpu.wait_dma2 semaphore(%run_scoped3A : memref<!tpu.dma_semaphore, #tpu.memory_space<semaphore_mem>>) src(%dma_wait3A_24 : memref<640x128xf32, #tpu.memory_space<vmem_shared>>) dst(%dma_wait3A_22 : memref<640x128xf32, #tpu.memory_space<hbm>>)
      tpu.yield
    }) : () -> ()
    return
  }
}

#map = affine_map<(d0, d1) -> (0, 0, 0)>
#map1 = affine_map<(d0, d1) -> (0, 0)>
module attributes {stable_mosaic.version = 14 : i64} {
  func.func @_deg_kernel(%arg0: i32, %arg1: i32, %arg2: memref<32x125x80xi32, #tpu.memory_space<hbm>>, %arg3: memref<80x128xf32, #tpu.memory_space<hbm>>, %arg4: memref<10240x128xf32, #tpu.memory_space<hbm>>, %arg5: memref<2x10240x128xf32, #tpu.memory_space<hbm>>, %arg6: memref<125x80xi32, #tpu.memory_space<vmem>>, %arg7: memref<80x128xf32, #tpu.memory_space<vmem>>, %arg8: memref<10240x128xf32, #tpu.memory_space<vmem_shared>>) attributes {dimension_semantics = [#tpu.dimension_semantics<core_parallel>, #tpu.dimension_semantics<subcore_parallel>], iteration_bounds = array<i64: 2, 16>, scalar_prefetch = 0 : i64, scratch_operands = 3 : i64, tpu.core_type = #tpu.core_type<sc_vector_subcore>, window_params = [{transform_indices = #map}, {transform_indices = #map1}, {transform_indices = #map1}, {transform_indices = #map}]} {
    %mul3A = arith.constant 16 : i32
    %mul3A_0 = arith.muli %arg0, %mul3A : i32
    %add3A = arith.addi %mul3A_0, %arg1 : i32
    %mul3A_1 = arith.constant 640 : i32
    %mul3A_2 = arith.muli %mul3A_1, %arg1 : i32
    %mul3A_3 = arith.constant 640 : i32
    %mul3A_4 = arith.muli %mul3A_3, %arg1 : i32
    "tpu.region"() ({
      %run_scoped3A = tpu.sem_alloc : memref<!tpu.dma_semaphore, #tpu.memory_space<semaphore_mem>>
      %dma_start3A = arith.constant 0 : i32
      %dma_start3A_15 = tpu.memref_slice %arg8[%mul3A_4, %dma_start3A] : memref<10240x128xf32, #tpu.memory_space<vmem_shared>> -> memref<640x128xf32, #tpu.memory_space<vmem_shared>>
      %dma_start3A_16 = arith.constant 0 : i32
      %dma_start3A_17 = tpu.memref_slice %arg4[%mul3A_2, %dma_start3A_16] : memref<10240x128xf32, #tpu.memory_space<hbm>> -> memref<640x128xf32, #tpu.memory_space<hbm>>
      tpu.enqueue_dma source(%dma_start3A_17 : memref<640x128xf32, #tpu.memory_space<hbm>>) target(%dma_start3A_15 : memref<640x128xf32, #tpu.memory_space<vmem_shared>>) target_semaphore(%run_scoped3A : memref<!tpu.dma_semaphore, #tpu.memory_space<semaphore_mem>>)
      %dma_wait3A = arith.constant 0 : i32
      %dma_wait3A_18 = tpu.memref_slice %arg8[%mul3A_4, %dma_wait3A] : memref<10240x128xf32, #tpu.memory_space<vmem_shared>> -> memref<640x128xf32, #tpu.memory_space<vmem_shared>>
      %dma_wait3A_19 = arith.constant 0 : i32
      %dma_wait3A_20 = tpu.memref_slice %arg4[%mul3A_2, %dma_wait3A_19] : memref<10240x128xf32, #tpu.memory_space<hbm>> -> memref<640x128xf32, #tpu.memory_space<hbm>>
      tpu.wait_dma2 semaphore(%run_scoped3A : memref<!tpu.dma_semaphore, #tpu.memory_space<semaphore_mem>>) src(%dma_wait3A_20 : memref<640x128xf32, #tpu.memory_space<hbm>>) dst(%dma_wait3A_18 : memref<640x128xf32, #tpu.memory_space<vmem_shared>>)
      tpu.yield
    }) : () -> ()
    "tpu.region"() ({
      %run_scoped3A = tpu.sem_alloc : memref<!tpu.dma_semaphore, #tpu.memory_space<semaphore_mem>>
      %dma_start3A = arith.constant 0 : i32
      %dma_start3A_15 = arith.constant 0 : i32
      %dma_start3A_16 = tpu.memref_slice %arg2[%add3A, %dma_start3A, %dma_start3A_15] : memref<32x125x80xi32, #tpu.memory_space<hbm>> -> memref<1x125x80xi32, #tpu.memory_space<hbm>>
      %dma_start3A_17 = tpu.memref_squeeze %dma_start3A_16 : memref<1x125x80xi32, #tpu.memory_space<hbm>> -> memref<125x80xi32, #tpu.memory_space<hbm>>
      %dma_start3A_18 = arith.constant 0 : i32
      %dma_start3A_19 = arith.constant 0 : i32
      %dma_start3A_20 = tpu.memref_slice %arg2[%add3A, %dma_start3A_18, %dma_start3A_19] : memref<32x125x80xi32, #tpu.memory_space<hbm>> -> memref<1x125x80xi32, #tpu.memory_space<hbm>>
      %dma_start3A_21 = tpu.memref_squeeze %dma_start3A_20 : memref<1x125x80xi32, #tpu.memory_space<hbm>> -> memref<125x80xi32, #tpu.memory_space<hbm>>
      tpu.enqueue_dma source(%dma_start3A_21 : memref<125x80xi32, #tpu.memory_space<hbm>>) target(%arg6 : memref<125x80xi32, #tpu.memory_space<vmem>>) target_semaphore(%run_scoped3A : memref<!tpu.dma_semaphore, #tpu.memory_space<semaphore_mem>>)
      %dma_wait3A = arith.constant 0 : i32
      %dma_wait3A_22 = arith.constant 0 : i32
      %dma_wait3A_23 = tpu.memref_slice %arg2[%add3A, %dma_wait3A, %dma_wait3A_22] : memref<32x125x80xi32, #tpu.memory_space<hbm>> -> memref<1x125x80xi32, #tpu.memory_space<hbm>>
      %dma_wait3A_24 = tpu.memref_squeeze %dma_wait3A_23 : memref<1x125x80xi32, #tpu.memory_space<hbm>> -> memref<125x80xi32, #tpu.memory_space<hbm>>
      %dma_wait3A_25 = arith.constant 0 : i32
      %dma_wait3A_26 = arith.constant 0 : i32
      %dma_wait3A_27 = tpu.memref_slice %arg2[%add3A, %dma_wait3A_25, %dma_wait3A_26] : memref<32x125x80xi32, #tpu.memory_space<hbm>> -> memref<1x125x80xi32, #tpu.memory_space<hbm>>
      %dma_wait3A_28 = tpu.memref_squeeze %dma_wait3A_27 : memref<1x125x80xi32, #tpu.memory_space<hbm>> -> memref<125x80xi32, #tpu.memory_space<hbm>>
      tpu.wait_dma2 semaphore(%run_scoped3A : memref<!tpu.dma_semaphore, #tpu.memory_space<semaphore_mem>>) src(%dma_wait3A_28 : memref<125x80xi32, #tpu.memory_space<hbm>>) dst(%arg6 : memref<125x80xi32, #tpu.memory_space<vmem>>)
      tpu.yield
    }) : () -> ()
    "tpu.region"() ({
      %run_scoped3A = tpu.sem_alloc : memref<!tpu.dma_semaphore, #tpu.memory_space<semaphore_mem>>
      tpu.enqueue_dma source(%arg3 : memref<80x128xf32, #tpu.memory_space<hbm>>) target(%arg7 : memref<80x128xf32, #tpu.memory_space<vmem>>) target_semaphore(%run_scoped3A : memref<!tpu.dma_semaphore, #tpu.memory_space<semaphore_mem>>)
      tpu.wait_dma2 semaphore(%run_scoped3A : memref<!tpu.dma_semaphore, #tpu.memory_space<semaphore_mem>>) src(%arg3 : memref<80x128xf32, #tpu.memory_space<hbm>>) dst(%arg7 : memref<80x128xf32, #tpu.memory_space<vmem>>)
      tpu.yield
    }) : () -> ()
    %barrier3A = arith.constant 0 : index
    tpu.barrier barrier_id(%barrier3A)
    %scan3A = arith.constant 0 : i32
    %scan3A_5 = arith.constant 0 : i32
    %scan3A_6 = arith.constant 125 : i32
    %scan3A_7 = arith.addi %scan3A_5, %scan3A_6 : i32
    %scan3A_8 = arith.constant 1 : i32
    scf.for %scan3A_15 = %scan3A_5 to %scan3A_7 step %scan3A_8  : i32 {
      "tpu.region"() ({
        %run_scoped3A = tpu.sem_alloc : memref<!tpu.dma_semaphore, #tpu.memory_space<semaphore_mem>>
        %dma_start3A = arith.constant 0 : i32
        %dma_start3A_16 = tpu.memref_slice %arg6[%scan3A_15, %dma_start3A] : memref<125x80xi32, #tpu.memory_space<vmem>> -> memref<1x80xi32, #tpu.memory_space<vmem>>
        %dma_start3A_17 = tpu.memref_squeeze %dma_start3A_16 : memref<1x80xi32, #tpu.memory_space<vmem>> -> memref<80xi32, #tpu.memory_space<vmem>>
        %dma_start3A_18 = arith.constant 0 : i32
        %dma_start3A_19 = arith.constant 0 : i32
        %dma_start3A_20 = tpu.memref_slice %arg8[%dma_start3A_18, %dma_start3A_19] : memref<10240x128xf32, #tpu.memory_space<vmem_shared>> -> memref<10240x128xf32, #tpu.memory_space<vmem_shared>>
        tpu.enqueue_indirect_dma source(%arg7 : memref<80x128xf32, #tpu.memory_space<vmem>>) target(%dma_start3A_20 : memref<10240x128xf32, #tpu.memory_space<vmem_shared>>) offsets(%dma_start3A_17 : memref<80xi32, #tpu.memory_space<vmem>>) semaphore(%run_scoped3A : memref<!tpu.dma_semaphore, #tpu.memory_space<semaphore_mem>>) {add = true}
        %dma_wait3A = arith.constant 0 : i32
        %dma_wait3A_21 = tpu.memref_slice %arg6[%scan3A_15, %dma_wait3A] : memref<125x80xi32, #tpu.memory_space<vmem>> -> memref<1x80xi32, #tpu.memory_space<vmem>>
        %dma_wait3A_22 = tpu.memref_squeeze %dma_wait3A_21 : memref<1x80xi32, #tpu.memory_space<vmem>> -> memref<80xi32, #tpu.memory_space<vmem>>
        %dma_wait3A_23 = arith.constant 0 : i32
        %dma_wait3A_24 = arith.constant 0 : i32
        %dma_wait3A_25 = tpu.memref_slice %arg8[%dma_wait3A_23, %dma_wait3A_24] : memref<10240x128xf32, #tpu.memory_space<vmem_shared>> -> memref<10240x128xf32, #tpu.memory_space<vmem_shared>>
        tpu.wait_indirect_dma semaphore(%run_scoped3A : memref<!tpu.dma_semaphore, #tpu.memory_space<semaphore_mem>>) src(%arg7 : memref<80x128xf32, #tpu.memory_space<vmem>>) dst(%dma_wait3A_25 : memref<10240x128xf32, #tpu.memory_space<vmem_shared>>)
        tpu.yield
      }) : () -> ()
    }
    %scan3A_9 = arith.constant 125 : i32
    %barrier3A_10 = arith.constant 0 : index
    tpu.barrier barrier_id(%barrier3A_10)
    %mul3A_11 = arith.constant 640 : i32
    %mul3A_12 = arith.muli %mul3A_11, %arg1 : i32
    %mul3A_13 = arith.constant 640 : i32
    %mul3A_14 = arith.muli %mul3A_13, %arg1 : i32
    "tpu.region"() ({
      %run_scoped3A = tpu.sem_alloc : memref<!tpu.dma_semaphore, #tpu.memory_space<semaphore_mem>>
      %dma_start3A = arith.constant 0 : i32
      %dma_start3A_15 = tpu.memref_slice %arg5[%arg0, %mul3A_14, %dma_start3A] : memref<2x10240x128xf32, #tpu.memory_space<hbm>> -> memref<1x640x128xf32, #tpu.memory_space<hbm>>
      %dma_start3A_16 = tpu.memref_squeeze %dma_start3A_15 : memref<1x640x128xf32, #tpu.memory_space<hbm>> -> memref<640x128xf32, #tpu.memory_space<hbm>>
      %dma_start3A_17 = arith.constant 0 : i32
      %dma_start3A_18 = tpu.memref_slice %arg8[%mul3A_12, %dma_start3A_17] : memref<10240x128xf32, #tpu.memory_space<vmem_shared>> -> memref<640x128xf32, #tpu.memory_space<vmem_shared>>
      tpu.enqueue_dma source(%dma_start3A_18 : memref<640x128xf32, #tpu.memory_space<vmem_shared>>) target(%dma_start3A_16 : memref<640x128xf32, #tpu.memory_space<hbm>>) target_semaphore(%run_scoped3A : memref<!tpu.dma_semaphore, #tpu.memory_space<semaphore_mem>>)
      %dma_wait3A = arith.constant 0 : i32
      %dma_wait3A_19 = tpu.memref_slice %arg5[%arg0, %mul3A_14, %dma_wait3A] : memref<2x10240x128xf32, #tpu.memory_space<hbm>> -> memref<1x640x128xf32, #tpu.memory_space<hbm>>
      %dma_wait3A_20 = tpu.memref_squeeze %dma_wait3A_19 : memref<1x640x128xf32, #tpu.memory_space<hbm>> -> memref<640x128xf32, #tpu.memory_space<hbm>>
      %dma_wait3A_21 = arith.constant 0 : i32
      %dma_wait3A_22 = tpu.memref_slice %arg8[%mul3A_12, %dma_wait3A_21] : memref<10240x128xf32, #tpu.memory_space<vmem_shared>> -> memref<640x128xf32, #tpu.memory_space<vmem_shared>>
      tpu.wait_dma2 semaphore(%run_scoped3A : memref<!tpu.dma_semaphore, #tpu.memory_space<semaphore_mem>>) src(%dma_wait3A_22 : memref<640x128xf32, #tpu.memory_space<vmem_shared>>) dst(%dma_wait3A_20 : memref<640x128xf32, #tpu.memory_space<hbm>>)
      tpu.yield
    }) : () -> ()
    return
  }
}

#map = affine_map<(d0, d1) -> (0, 0)>
#map1 = affine_map<(d0, d1) -> (0, 0, 0)>
#map2 = affine_map<(d0, d1) -> (0, 0, 0, 0)>
module attributes {stable_mosaic.version = 14 : i64} {
  func.func @agg(%arg0: i32, %arg1: i32, %arg2: memref<20000x128xf32, #tpu.memory_space<hbm>>, %arg3: memref<16x10x2000xi32, #tpu.memory_space<hbm>>, %arg4: memref<16x10x25x80xi32, #tpu.memory_space<hbm>>, %arg5: memref<10240x128xf32, #tpu.memory_space<hbm>>, %arg6: memref<2x10240x128xf32, #tpu.memory_space<hbm>>, %arg7: memref<2000xi32, #tpu.memory_space<vmem>>, %arg8: memref<25x80xi32, #tpu.memory_space<vmem>>, %arg9: memref<80x128xf32, #tpu.memory_space<vmem>>, %arg10: memref<10240x128xf32, #tpu.memory_space<vmem_shared>>, %arg11: memref<!tpu.dma_semaphore, #tpu.memory_space<semaphore_mem>>) attributes {dimension_semantics = [#tpu.dimension_semantics<core_parallel>, #tpu.dimension_semantics<subcore_parallel>], iteration_bounds = array<i64: 2, 16>, scalar_prefetch = 0 : i64, scratch_operands = 5 : i64, tpu.core_type = #tpu.core_type<sc_vector_subcore>, window_params = [{transform_indices = #map}, {transform_indices = #map1}, {transform_indices = #map2}, {transform_indices = #map}, {transform_indices = #map1}]} {
    %mul3A = arith.constant 640 : i32
    %mul3A_0 = arith.muli %mul3A, %arg1 : i32
    %mul3A_1 = arith.constant 640 : i32
    %mul3A_2 = arith.muli %mul3A_1, %arg1 : i32
    "tpu.region"() ({
      %run_scoped3A = tpu.sem_alloc : memref<!tpu.dma_semaphore, #tpu.memory_space<semaphore_mem>>
      %dma_start3A = arith.constant 0 : i32
      %dma_start3A_15 = tpu.memref_slice %arg10[%mul3A_2, %dma_start3A] : memref<10240x128xf32, #tpu.memory_space<vmem_shared>> -> memref<640x128xf32, #tpu.memory_space<vmem_shared>>
      %dma_start3A_16 = arith.constant 0 : i32
      %dma_start3A_17 = tpu.memref_slice %arg5[%mul3A_0, %dma_start3A_16] : memref<10240x128xf32, #tpu.memory_space<hbm>> -> memref<640x128xf32, #tpu.memory_space<hbm>>
      tpu.enqueue_dma source(%dma_start3A_17 : memref<640x128xf32, #tpu.memory_space<hbm>>) target(%dma_start3A_15 : memref<640x128xf32, #tpu.memory_space<vmem_shared>>) target_semaphore(%run_scoped3A : memref<!tpu.dma_semaphore, #tpu.memory_space<semaphore_mem>>)
      %dma_wait3A = arith.constant 0 : i32
      %dma_wait3A_18 = tpu.memref_slice %arg10[%mul3A_2, %dma_wait3A] : memref<10240x128xf32, #tpu.memory_space<vmem_shared>> -> memref<640x128xf32, #tpu.memory_space<vmem_shared>>
      %dma_wait3A_19 = arith.constant 0 : i32
      %dma_wait3A_20 = tpu.memref_slice %arg5[%mul3A_0, %dma_wait3A_19] : memref<10240x128xf32, #tpu.memory_space<hbm>> -> memref<640x128xf32, #tpu.memory_space<hbm>>
      tpu.wait_dma2 semaphore(%run_scoped3A : memref<!tpu.dma_semaphore, #tpu.memory_space<semaphore_mem>>) src(%dma_wait3A_20 : memref<640x128xf32, #tpu.memory_space<hbm>>) dst(%dma_wait3A_18 : memref<640x128xf32, #tpu.memory_space<vmem_shared>>)
      tpu.yield
    }) : () -> ()
    %barrier3A = arith.constant 0 : index
    tpu.barrier barrier_id(%barrier3A)
    %mul3A_3 = arith.constant 10000 : i32
    %mul3A_4 = arith.muli %arg0, %mul3A_3 : i32
    %scan3A = arith.constant 0 : i32
    %scan3A_5 = arith.constant 0 : i32
    %scan3A_6 = arith.constant 10 : i32
    %scan3A_7 = arith.addi %scan3A_5, %scan3A_6 : i32
    %scan3A_8 = arith.constant 1 : i32
    scf.for %scan3A_15 = %scan3A_5 to %scan3A_7 step %scan3A_8  : i32 {
      "tpu.region"() ({
        %run_scoped3A = tpu.sem_alloc : memref<!tpu.dma_semaphore, #tpu.memory_space<semaphore_mem>>
        %dma_start3A = arith.constant 0 : i32
        %dma_start3A_28 = tpu.memref_slice %arg3[%arg1, %scan3A_15, %dma_start3A] : memref<16x10x2000xi32, #tpu.memory_space<hbm>> -> memref<1x1x2000xi32, #tpu.memory_space<hbm>>
        %dma_start3A_29 = tpu.memref_squeeze %dma_start3A_28 : memref<1x1x2000xi32, #tpu.memory_space<hbm>> -> memref<2000xi32, #tpu.memory_space<hbm>>
        %dma_start3A_30 = arith.constant 0 : i32
        %dma_start3A_31 = tpu.memref_slice %arg3[%arg1, %scan3A_15, %dma_start3A_30] : memref<16x10x2000xi32, #tpu.memory_space<hbm>> -> memref<1x1x2000xi32, #tpu.memory_space<hbm>>
        %dma_start3A_32 = tpu.memref_squeeze %dma_start3A_31 : memref<1x1x2000xi32, #tpu.memory_space<hbm>> -> memref<2000xi32, #tpu.memory_space<hbm>>
        tpu.enqueue_dma source(%dma_start3A_32 : memref<2000xi32, #tpu.memory_space<hbm>>) target(%arg7 : memref<2000xi32, #tpu.memory_space<vmem>>) target_semaphore(%run_scoped3A : memref<!tpu.dma_semaphore, #tpu.memory_space<semaphore_mem>>)
        %dma_wait3A = arith.constant 0 : i32
        %dma_wait3A_33 = tpu.memref_slice %arg3[%arg1, %scan3A_15, %dma_wait3A] : memref<16x10x2000xi32, #tpu.memory_space<hbm>> -> memref<1x1x2000xi32, #tpu.memory_space<hbm>>
        %dma_wait3A_34 = tpu.memref_squeeze %dma_wait3A_33 : memref<1x1x2000xi32, #tpu.memory_space<hbm>> -> memref<2000xi32, #tpu.memory_space<hbm>>
        %dma_wait3A_35 = arith.constant 0 : i32
        %dma_wait3A_36 = tpu.memref_slice %arg3[%arg1, %scan3A_15, %dma_wait3A_35] : memref<16x10x2000xi32, #tpu.memory_space<hbm>> -> memref<1x1x2000xi32, #tpu.memory_space<hbm>>
        %dma_wait3A_37 = tpu.memref_squeeze %dma_wait3A_36 : memref<1x1x2000xi32, #tpu.memory_space<hbm>> -> memref<2000xi32, #tpu.memory_space<hbm>>
        tpu.wait_dma2 semaphore(%run_scoped3A : memref<!tpu.dma_semaphore, #tpu.memory_space<semaphore_mem>>) src(%dma_wait3A_37 : memref<2000xi32, #tpu.memory_space<hbm>>) dst(%arg7 : memref<2000xi32, #tpu.memory_space<vmem>>)
        tpu.yield
      }) : () -> ()
      "tpu.region"() ({
        %run_scoped3A = tpu.sem_alloc : memref<!tpu.dma_semaphore, #tpu.memory_space<semaphore_mem>>
        %dma_start3A = arith.constant 0 : i32
        %dma_start3A_28 = arith.constant 0 : i32
        %dma_start3A_29 = tpu.memref_slice %arg4[%arg1, %scan3A_15, %dma_start3A, %dma_start3A_28] : memref<16x10x25x80xi32, #tpu.memory_space<hbm>> -> memref<1x1x25x80xi32, #tpu.memory_space<hbm>>
        %dma_start3A_30 = tpu.memref_squeeze %dma_start3A_29 : memref<1x1x25x80xi32, #tpu.memory_space<hbm>> -> memref<25x80xi32, #tpu.memory_space<hbm>>
        %dma_start3A_31 = arith.constant 0 : i32
        %dma_start3A_32 = arith.constant 0 : i32
        %dma_start3A_33 = tpu.memref_slice %arg4[%arg1, %scan3A_15, %dma_start3A_31, %dma_start3A_32] : memref<16x10x25x80xi32, #tpu.memory_space<hbm>> -> memref<1x1x25x80xi32, #tpu.memory_space<hbm>>
        %dma_start3A_34 = tpu.memref_squeeze %dma_start3A_33 : memref<1x1x25x80xi32, #tpu.memory_space<hbm>> -> memref<25x80xi32, #tpu.memory_space<hbm>>
        tpu.enqueue_dma source(%dma_start3A_34 : memref<25x80xi32, #tpu.memory_space<hbm>>) target(%arg8 : memref<25x80xi32, #tpu.memory_space<vmem>>) target_semaphore(%run_scoped3A : memref<!tpu.dma_semaphore, #tpu.memory_space<semaphore_mem>>)
        %dma_wait3A = arith.constant 0 : i32
        %dma_wait3A_35 = arith.constant 0 : i32
        %dma_wait3A_36 = tpu.memref_slice %arg4[%arg1, %scan3A_15, %dma_wait3A, %dma_wait3A_35] : memref<16x10x25x80xi32, #tpu.memory_space<hbm>> -> memref<1x1x25x80xi32, #tpu.memory_space<hbm>>
        %dma_wait3A_37 = tpu.memref_squeeze %dma_wait3A_36 : memref<1x1x25x80xi32, #tpu.memory_space<hbm>> -> memref<25x80xi32, #tpu.memory_space<hbm>>
        %dma_wait3A_38 = arith.constant 0 : i32
        %dma_wait3A_39 = arith.constant 0 : i32
        %dma_wait3A_40 = tpu.memref_slice %arg4[%arg1, %scan3A_15, %dma_wait3A_38, %dma_wait3A_39] : memref<16x10x25x80xi32, #tpu.memory_space<hbm>> -> memref<1x1x25x80xi32, #tpu.memory_space<hbm>>
        %dma_wait3A_41 = tpu.memref_squeeze %dma_wait3A_40 : memref<1x1x25x80xi32, #tpu.memory_space<hbm>> -> memref<25x80xi32, #tpu.memory_space<hbm>>
        tpu.wait_dma2 semaphore(%run_scoped3A : memref<!tpu.dma_semaphore, #tpu.memory_space<semaphore_mem>>) src(%dma_wait3A_41 : memref<25x80xi32, #tpu.memory_space<hbm>>) dst(%arg8 : memref<25x80xi32, #tpu.memory_space<vmem>>)
        tpu.yield
      }) : () -> ()
      %scan3A_16 = arith.constant 0 : i32
      %scan3A_17 = arith.constant 0 : i32
      %scan3A_18 = arith.constant 125 : i32
      %scan3A_19 = arith.addi %scan3A_17, %scan3A_18 : i32
      %scan3A_20 = arith.constant 1 : i32
      scf.for %scan3A_28 = %scan3A_17 to %scan3A_19 step %scan3A_20  : i32 {
        %mul3A_29 = arith.constant 16 : i32
        %mul3A_30 = arith.muli %scan3A_28, %mul3A_29 : i32
        %get3A = arith.index_cast %mul3A_30 : i32 to index
        %get3A_31 = tpu.vector_load %arg7[%get3A] {strides = array<i32>} : memref<2000xi32, #tpu.memory_space<vmem>>, vector<16xi32>,
        %get3A_32 = vector.shape_cast %get3A_31 : vector<16xi32> to vector<16xi32>
        %add3A = vector.broadcast %mul3A_4 : i32 to vector<16xi32>
        %add3A_33 = arith.addi %get3A_32, %add3A : vector<16xi32>
        %mul3A_34 = arith.constant 16 : i32
        %mul3A_35 = arith.muli %scan3A_28, %mul3A_34 : i32
        %swap3A = arith.index_cast %mul3A_35 : i32 to index
        %swap3A_36 = tpu.vector_load %arg7[%swap3A] {strides = array<i32>} : memref<2000xi32, #tpu.memory_space<vmem>>, vector<16xi32>,
        %swap3A_37 = vector.shape_cast %swap3A_36 : vector<16xi32> to vector<16xi32>
        %swap3A_38 = vector.shape_cast %add3A_33 : vector<16xi32> to vector<16xi32>
        tpu.vector_store %arg7[%swap3A], %swap3A_38 {strides = array<i32>} : memref<2000xi32, #tpu.memory_space<vmem>>, vector<16xi32>,
      }
      %scan3A_21 = arith.constant 125 : i32
      %scan3A_22 = arith.constant 0 : i32
      %scan3A_23 = arith.constant 0 : i32
      %scan3A_24 = arith.constant 25 : i32
      %scan3A_25 = arith.addi %scan3A_23, %scan3A_24 : i32
      %scan3A_26 = arith.constant 1 : i32
      scf.for %scan3A_28 = %scan3A_23 to %scan3A_25 step %scan3A_26  : i32 {
        %mul3A_29 = arith.constant 80 : i32
        %mul3A_30 = arith.muli %scan3A_28, %mul3A_29 : i32
        "tpu.region"() ({
          %run_scoped3A = tpu.sem_alloc : memref<!tpu.dma_semaphore, #tpu.memory_space<semaphore_mem>>
          %dma_start3A = tpu.memref_slice %arg7[%mul3A_30] : memref<2000xi32, #tpu.memory_space<vmem>> -> memref<80xi32, #tpu.memory_space<vmem>>
          %dma_start3A_31 = arith.constant 0 : i32
          %dma_start3A_32 = arith.constant 0 : i32
          %dma_start3A_33 = tpu.memref_slice %arg2[%dma_start3A_31, %dma_start3A_32] : memref<20000x128xf32, #tpu.memory_space<hbm>> -> memref<20000x128xf32, #tpu.memory_space<hbm>>
          tpu.enqueue_indirect_dma source(%dma_start3A_33 : memref<20000x128xf32, #tpu.memory_space<hbm>>) target(%arg9 : memref<80x128xf32, #tpu.memory_space<vmem>>) offsets(%dma_start3A : memref<80xi32, #tpu.memory_space<vmem>>) semaphore(%run_scoped3A : memref<!tpu.dma_semaphore, #tpu.memory_space<semaphore_mem>>)
          %dma_wait3A = tpu.memref_slice %arg7[%mul3A_30] : memref<2000xi32, #tpu.memory_space<vmem>> -> memref<80xi32, #tpu.memory_space<vmem>>
          %dma_wait3A_34 = arith.constant 0 : i32
          %dma_wait3A_35 = arith.constant 0 : i32
          %dma_wait3A_36 = tpu.memref_slice %arg2[%dma_wait3A_34, %dma_wait3A_35] : memref<20000x128xf32, #tpu.memory_space<hbm>> -> memref<20000x128xf32, #tpu.memory_space<hbm>>
          tpu.wait_indirect_dma semaphore(%run_scoped3A : memref<!tpu.dma_semaphore, #tpu.memory_space<semaphore_mem>>) src(%dma_wait3A_36 : memref<20000x128xf32, #tpu.memory_space<hbm>>) dst(%arg9 : memref<80x128xf32, #tpu.memory_space<vmem>>)
          tpu.yield
        }) : () -> ()
        "tpu.region"() ({
          %run_scoped3A = tpu.sem_alloc : memref<!tpu.dma_semaphore, #tpu.memory_space<semaphore_mem>>
          %dma_start3A = arith.constant 0 : i32
          %dma_start3A_31 = tpu.memref_slice %arg8[%scan3A_28, %dma_start3A] : memref<25x80xi32, #tpu.memory_space<vmem>> -> memref<1x80xi32, #tpu.memory_space<vmem>>
          %dma_start3A_32 = tpu.memref_squeeze %dma_start3A_31 : memref<1x80xi32, #tpu.memory_space<vmem>> -> memref<80xi32, #tpu.memory_space<vmem>>
          %dma_start3A_33 = arith.constant 0 : i32
          %dma_start3A_34 = arith.constant 0 : i32
          %dma_start3A_35 = tpu.memref_slice %arg10[%dma_start3A_33, %dma_start3A_34] : memref<10240x128xf32, #tpu.memory_space<vmem_shared>> -> memref<10240x128xf32, #tpu.memory_space<vmem_shared>>
          tpu.enqueue_indirect_dma source(%arg9 : memref<80x128xf32, #tpu.memory_space<vmem>>) target(%dma_start3A_35 : memref<10240x128xf32, #tpu.memory_space<vmem_shared>>) offsets(%dma_start3A_32 : memref<80xi32, #tpu.memory_space<vmem>>) semaphore(%run_scoped3A : memref<!tpu.dma_semaphore, #tpu.memory_space<semaphore_mem>>) {add = true}
          %dma_wait3A = arith.constant 0 : i32
          %dma_wait3A_36 = tpu.memref_slice %arg8[%scan3A_28, %dma_wait3A] : memref<25x80xi32, #tpu.memory_space<vmem>> -> memref<1x80xi32, #tpu.memory_space<vmem>>
          %dma_wait3A_37 = tpu.memref_squeeze %dma_wait3A_36 : memref<1x80xi32, #tpu.memory_space<vmem>> -> memref<80xi32, #tpu.memory_space<vmem>>
          %dma_wait3A_38 = arith.constant 0 : i32
          %dma_wait3A_39 = arith.constant 0 : i32
          %dma_wait3A_40 = tpu.memref_slice %arg10[%dma_wait3A_38, %dma_wait3A_39] : memref<10240x128xf32, #tpu.memory_space<vmem_shared>> -> memref<10240x128xf32, #tpu.memory_space<vmem_shared>>
          tpu.wait_indirect_dma semaphore(%run_scoped3A : memref<!tpu.dma_semaphore, #tpu.memory_space<semaphore_mem>>) src(%arg9 : memref<80x128xf32, #tpu.memory_space<vmem>>) dst(%dma_wait3A_40 : memref<10240x128xf32, #tpu.memory_space<vmem_shared>>)
          tpu.yield
        }) : () -> ()
      }
      %scan3A_27 = arith.constant 25 : i32
    }
    %scan3A_9 = arith.constant 10 : i32
    %barrier3A_10 = arith.constant 0 : index
    tpu.barrier barrier_id(%barrier3A_10)
    %mul3A_11 = arith.constant 640 : i32
    %mul3A_12 = arith.muli %mul3A_11, %arg1 : i32
    %mul3A_13 = arith.constant 640 : i32
    %mul3A_14 = arith.muli %mul3A_13, %arg1 : i32
    "tpu.region"() ({
      %run_scoped3A = tpu.sem_alloc : memref<!tpu.dma_semaphore, #tpu.memory_space<semaphore_mem>>
      %dma_start3A = arith.constant 0 : i32
      %dma_start3A_15 = tpu.memref_slice %arg6[%arg0, %mul3A_14, %dma_start3A] : memref<2x10240x128xf32, #tpu.memory_space<hbm>> -> memref<1x640x128xf32, #tpu.memory_space<hbm>>
      %dma_start3A_16 = tpu.memref_squeeze %dma_start3A_15 : memref<1x640x128xf32, #tpu.memory_space<hbm>> -> memref<640x128xf32, #tpu.memory_space<hbm>>
      %dma_start3A_17 = arith.constant 0 : i32
      %dma_start3A_18 = tpu.memref_slice %arg10[%mul3A_12, %dma_start3A_17] : memref<10240x128xf32, #tpu.memory_space<vmem_shared>> -> memref<640x128xf32, #tpu.memory_space<vmem_shared>>
      tpu.enqueue_dma source(%dma_start3A_18 : memref<640x128xf32, #tpu.memory_space<vmem_shared>>) target(%dma_start3A_16 : memref<640x128xf32, #tpu.memory_space<hbm>>) target_semaphore(%run_scoped3A : memref<!tpu.dma_semaphore, #tpu.memory_space<semaphore_mem>>)
      %dma_wait3A = arith.constant 0 : i32
      %dma_wait3A_19 = tpu.memref_slice %arg6[%arg0, %mul3A_14, %dma_wait3A] : memref<2x10240x128xf32, #tpu.memory_space<hbm>> -> memref<1x640x128xf32, #tpu.memory_space<hbm>>
      %dma_wait3A_20 = tpu.memref_squeeze %dma_wait3A_19 : memref<1x640x128xf32, #tpu.memory_space<hbm>> -> memref<640x128xf32, #tpu.memory_space<hbm>>
      %dma_wait3A_21 = arith.constant 0 : i32
      %dma_wait3A_22 = tpu.memref_slice %arg10[%mul3A_12, %dma_wait3A_21] : memref<10240x128xf32, #tpu.memory_space<vmem_shared>> -> memref<640x128xf32, #tpu.memory_space<vmem_shared>>
      tpu.wait_dma2 semaphore(%run_scoped3A : memref<!tpu.dma_semaphore, #tpu.memory_space<semaphore_mem>>) src(%dma_wait3A_22 : memref<640x128xf32, #tpu.memory_space<vmem_shared>>) dst(%dma_wait3A_20 : memref<640x128xf32, #tpu.memory_space<hbm>>)
      tpu.yield
    }) : () -> ()
    return
  }
}

#map = affine_map<(d0, d1) -> (0, 0)>
#map1 = affine_map<(d0, d1) -> (0, 0, 0)>
#map2 = affine_map<(d0, d1) -> (0, 0, 0, 0)>
module attributes {stable_mosaic.version = 14 : i64} {
  func.func @agg(%arg0: i32, %arg1: i32, %arg2: memref<20000x128xf32, #tpu.memory_space<hbm>>, %arg3: memref<16x10x2000xi32, #tpu.memory_space<hbm>>, %arg4: memref<16x10x25x80xi32, #tpu.memory_space<hbm>>, %arg5: memref<10240x128xf32, #tpu.memory_space<hbm>>, %arg6: memref<2x10240x128xf32, #tpu.memory_space<hbm>>, %arg7: memref<2000xi32, #tpu.memory_space<vmem>>, %arg8: memref<25x80xi32, #tpu.memory_space<vmem>>, %arg9: memref<80x128xf32, #tpu.memory_space<vmem>>, %arg10: memref<10240x128xf32, #tpu.memory_space<vmem_shared>>, %arg11: memref<!tpu.dma_semaphore, #tpu.memory_space<semaphore_mem>>) attributes {dimension_semantics = [#tpu.dimension_semantics<core_parallel>, #tpu.dimension_semantics<subcore_parallel>], iteration_bounds = array<i64: 2, 16>, scalar_prefetch = 0 : i64, scratch_operands = 5 : i64, tpu.core_type = #tpu.core_type<sc_vector_subcore>, window_params = [{transform_indices = #map}, {transform_indices = #map1}, {transform_indices = #map2}, {transform_indices = #map}, {transform_indices = #map1}]} {
    %mul3A = arith.constant 640 : i32
    %mul3A_0 = arith.muli %mul3A, %arg1 : i32
    %mul3A_1 = arith.constant 640 : i32
    %mul3A_2 = arith.muli %mul3A_1, %arg1 : i32
    "tpu.region"() ({
      %run_scoped3A = tpu.sem_alloc : memref<!tpu.dma_semaphore, #tpu.memory_space<semaphore_mem>>
      %dma_start3A = arith.constant 0 : i32
      %dma_start3A_15 = tpu.memref_slice %arg10[%mul3A_2, %dma_start3A] : memref<10240x128xf32, #tpu.memory_space<vmem_shared>> -> memref<640x128xf32, #tpu.memory_space<vmem_shared>>
      %dma_start3A_16 = arith.constant 0 : i32
      %dma_start3A_17 = tpu.memref_slice %arg5[%mul3A_0, %dma_start3A_16] : memref<10240x128xf32, #tpu.memory_space<hbm>> -> memref<640x128xf32, #tpu.memory_space<hbm>>
      tpu.enqueue_dma source(%dma_start3A_17 : memref<640x128xf32, #tpu.memory_space<hbm>>) target(%dma_start3A_15 : memref<640x128xf32, #tpu.memory_space<vmem_shared>>) target_semaphore(%run_scoped3A : memref<!tpu.dma_semaphore, #tpu.memory_space<semaphore_mem>>)
      %dma_wait3A = arith.constant 0 : i32
      %dma_wait3A_18 = tpu.memref_slice %arg10[%mul3A_2, %dma_wait3A] : memref<10240x128xf32, #tpu.memory_space<vmem_shared>> -> memref<640x128xf32, #tpu.memory_space<vmem_shared>>
      %dma_wait3A_19 = arith.constant 0 : i32
      %dma_wait3A_20 = tpu.memref_slice %arg5[%mul3A_0, %dma_wait3A_19] : memref<10240x128xf32, #tpu.memory_space<hbm>> -> memref<640x128xf32, #tpu.memory_space<hbm>>
      tpu.wait_dma2 semaphore(%run_scoped3A : memref<!tpu.dma_semaphore, #tpu.memory_space<semaphore_mem>>) src(%dma_wait3A_20 : memref<640x128xf32, #tpu.memory_space<hbm>>) dst(%dma_wait3A_18 : memref<640x128xf32, #tpu.memory_space<vmem_shared>>)
      tpu.yield
    }) : () -> ()
    %barrier3A = arith.constant 0 : index
    tpu.barrier barrier_id(%barrier3A)
    %mul3A_3 = arith.constant 10000 : i32
    %mul3A_4 = arith.muli %arg0, %mul3A_3 : i32
    %scan3A = arith.constant 0 : i32
    %scan3A_5 = arith.constant 0 : i32
    %scan3A_6 = arith.constant 10 : i32
    %scan3A_7 = arith.addi %scan3A_5, %scan3A_6 : i32
    %scan3A_8 = arith.constant 1 : i32
    scf.for %scan3A_15 = %scan3A_5 to %scan3A_7 step %scan3A_8  : i32 {
      "tpu.region"() ({
        %run_scoped3A = tpu.sem_alloc : memref<!tpu.dma_semaphore, #tpu.memory_space<semaphore_mem>>
        %dma_start3A = arith.constant 0 : i32
        %dma_start3A_28 = tpu.memref_slice %arg3[%arg1, %scan3A_15, %dma_start3A] : memref<16x10x2000xi32, #tpu.memory_space<hbm>> -> memref<1x1x2000xi32, #tpu.memory_space<hbm>>
        %dma_start3A_29 = tpu.memref_squeeze %dma_start3A_28 : memref<1x1x2000xi32, #tpu.memory_space<hbm>> -> memref<2000xi32, #tpu.memory_space<hbm>>
        %dma_start3A_30 = arith.constant 0 : i32
        %dma_start3A_31 = tpu.memref_slice %arg3[%arg1, %scan3A_15, %dma_start3A_30] : memref<16x10x2000xi32, #tpu.memory_space<hbm>> -> memref<1x1x2000xi32, #tpu.memory_space<hbm>>
        %dma_start3A_32 = tpu.memref_squeeze %dma_start3A_31 : memref<1x1x2000xi32, #tpu.memory_space<hbm>> -> memref<2000xi32, #tpu.memory_space<hbm>>
        tpu.enqueue_dma source(%dma_start3A_32 : memref<2000xi32, #tpu.memory_space<hbm>>) target(%arg7 : memref<2000xi32, #tpu.memory_space<vmem>>) target_semaphore(%run_scoped3A : memref<!tpu.dma_semaphore, #tpu.memory_space<semaphore_mem>>)
        %dma_wait3A = arith.constant 0 : i32
        %dma_wait3A_33 = tpu.memref_slice %arg3[%arg1, %scan3A_15, %dma_wait3A] : memref<16x10x2000xi32, #tpu.memory_space<hbm>> -> memref<1x1x2000xi32, #tpu.memory_space<hbm>>
        %dma_wait3A_34 = tpu.memref_squeeze %dma_wait3A_33 : memref<1x1x2000xi32, #tpu.memory_space<hbm>> -> memref<2000xi32, #tpu.memory_space<hbm>>
        %dma_wait3A_35 = arith.constant 0 : i32
        %dma_wait3A_36 = tpu.memref_slice %arg3[%arg1, %scan3A_15, %dma_wait3A_35] : memref<16x10x2000xi32, #tpu.memory_space<hbm>> -> memref<1x1x2000xi32, #tpu.memory_space<hbm>>
        %dma_wait3A_37 = tpu.memref_squeeze %dma_wait3A_36 : memref<1x1x2000xi32, #tpu.memory_space<hbm>> -> memref<2000xi32, #tpu.memory_space<hbm>>
        tpu.wait_dma2 semaphore(%run_scoped3A : memref<!tpu.dma_semaphore, #tpu.memory_space<semaphore_mem>>) src(%dma_wait3A_37 : memref<2000xi32, #tpu.memory_space<hbm>>) dst(%arg7 : memref<2000xi32, #tpu.memory_space<vmem>>)
        tpu.yield
      }) : () -> ()
      "tpu.region"() ({
        %run_scoped3A = tpu.sem_alloc : memref<!tpu.dma_semaphore, #tpu.memory_space<semaphore_mem>>
        %dma_start3A = arith.constant 0 : i32
        %dma_start3A_28 = arith.constant 0 : i32
        %dma_start3A_29 = tpu.memref_slice %arg4[%arg1, %scan3A_15, %dma_start3A, %dma_start3A_28] : memref<16x10x25x80xi32, #tpu.memory_space<hbm>> -> memref<1x1x25x80xi32, #tpu.memory_space<hbm>>
        %dma_start3A_30 = tpu.memref_squeeze %dma_start3A_29 : memref<1x1x25x80xi32, #tpu.memory_space<hbm>> -> memref<25x80xi32, #tpu.memory_space<hbm>>
        %dma_start3A_31 = arith.constant 0 : i32
        %dma_start3A_32 = arith.constant 0 : i32
        %dma_start3A_33 = tpu.memref_slice %arg4[%arg1, %scan3A_15, %dma_start3A_31, %dma_start3A_32] : memref<16x10x25x80xi32, #tpu.memory_space<hbm>> -> memref<1x1x25x80xi32, #tpu.memory_space<hbm>>
        %dma_start3A_34 = tpu.memref_squeeze %dma_start3A_33 : memref<1x1x25x80xi32, #tpu.memory_space<hbm>> -> memref<25x80xi32, #tpu.memory_space<hbm>>
        tpu.enqueue_dma source(%dma_start3A_34 : memref<25x80xi32, #tpu.memory_space<hbm>>) target(%arg8 : memref<25x80xi32, #tpu.memory_space<vmem>>) target_semaphore(%run_scoped3A : memref<!tpu.dma_semaphore, #tpu.memory_space<semaphore_mem>>)
        %dma_wait3A = arith.constant 0 : i32
        %dma_wait3A_35 = arith.constant 0 : i32
        %dma_wait3A_36 = tpu.memref_slice %arg4[%arg1, %scan3A_15, %dma_wait3A, %dma_wait3A_35] : memref<16x10x25x80xi32, #tpu.memory_space<hbm>> -> memref<1x1x25x80xi32, #tpu.memory_space<hbm>>
        %dma_wait3A_37 = tpu.memref_squeeze %dma_wait3A_36 : memref<1x1x25x80xi32, #tpu.memory_space<hbm>> -> memref<25x80xi32, #tpu.memory_space<hbm>>
        %dma_wait3A_38 = arith.constant 0 : i32
        %dma_wait3A_39 = arith.constant 0 : i32
        %dma_wait3A_40 = tpu.memref_slice %arg4[%arg1, %scan3A_15, %dma_wait3A_38, %dma_wait3A_39] : memref<16x10x25x80xi32, #tpu.memory_space<hbm>> -> memref<1x1x25x80xi32, #tpu.memory_space<hbm>>
        %dma_wait3A_41 = tpu.memref_squeeze %dma_wait3A_40 : memref<1x1x25x80xi32, #tpu.memory_space<hbm>> -> memref<25x80xi32, #tpu.memory_space<hbm>>
        tpu.wait_dma2 semaphore(%run_scoped3A : memref<!tpu.dma_semaphore, #tpu.memory_space<semaphore_mem>>) src(%dma_wait3A_41 : memref<25x80xi32, #tpu.memory_space<hbm>>) dst(%arg8 : memref<25x80xi32, #tpu.memory_space<vmem>>)
        tpu.yield
      }) : () -> ()
      %scan3A_16 = arith.constant 0 : i32
      %scan3A_17 = arith.constant 0 : i32
      %scan3A_18 = arith.constant 125 : i32
      %scan3A_19 = arith.addi %scan3A_17, %scan3A_18 : i32
      %scan3A_20 = arith.constant 1 : i32
      scf.for %scan3A_28 = %scan3A_17 to %scan3A_19 step %scan3A_20  : i32 {
        %mul3A_29 = arith.constant 16 : i32
        %mul3A_30 = arith.muli %scan3A_28, %mul3A_29 : i32
        %get3A = arith.index_cast %mul3A_30 : i32 to index
        %get3A_31 = tpu.vector_load %arg7[%get3A] {strides = array<i32>} : memref<2000xi32, #tpu.memory_space<vmem>>, vector<16xi32>,
        %get3A_32 = vector.shape_cast %get3A_31 : vector<16xi32> to vector<16xi32>
        %add3A = vector.broadcast %mul3A_4 : i32 to vector<16xi32>
        %add3A_33 = arith.addi %get3A_32, %add3A : vector<16xi32>
        %mul3A_34 = arith.constant 16 : i32
        %mul3A_35 = arith.muli %scan3A_28, %mul3A_34 : i32
        %swap3A = arith.index_cast %mul3A_35 : i32 to index
        %swap3A_36 = tpu.vector_load %arg7[%swap3A] {strides = array<i32>} : memref<2000xi32, #tpu.memory_space<vmem>>, vector<16xi32>,
        %swap3A_37 = vector.shape_cast %swap3A_36 : vector<16xi32> to vector<16xi32>
        %swap3A_38 = vector.shape_cast %add3A_33 : vector<16xi32> to vector<16xi32>
        tpu.vector_store %arg7[%swap3A], %swap3A_38 {strides = array<i32>} : memref<2000xi32, #tpu.memory_space<vmem>>, vector<16xi32>,
      }
      %scan3A_21 = arith.constant 125 : i32
      %scan3A_22 = arith.constant 0 : i32
      %scan3A_23 = arith.constant 0 : i32
      %scan3A_24 = arith.constant 25 : i32
      %scan3A_25 = arith.addi %scan3A_23, %scan3A_24 : i32
      %scan3A_26 = arith.constant 1 : i32
      scf.for %scan3A_28 = %scan3A_23 to %scan3A_25 step %scan3A_26  : i32 {
        %mul3A_29 = arith.constant 80 : i32
        %mul3A_30 = arith.muli %scan3A_28, %mul3A_29 : i32
        "tpu.region"() ({
          %run_scoped3A = tpu.sem_alloc : memref<!tpu.dma_semaphore, #tpu.memory_space<semaphore_mem>>
          %dma_start3A = tpu.memref_slice %arg7[%mul3A_30] : memref<2000xi32, #tpu.memory_space<vmem>> -> memref<80xi32, #tpu.memory_space<vmem>>
          %dma_start3A_31 = arith.constant 0 : i32
          %dma_start3A_32 = arith.constant 0 : i32
          %dma_start3A_33 = tpu.memref_slice %arg2[%dma_start3A_31, %dma_start3A_32] : memref<20000x128xf32, #tpu.memory_space<hbm>> -> memref<20000x128xf32, #tpu.memory_space<hbm>>
          tpu.enqueue_indirect_dma source(%dma_start3A_33 : memref<20000x128xf32, #tpu.memory_space<hbm>>) target(%arg9 : memref<80x128xf32, #tpu.memory_space<vmem>>) offsets(%dma_start3A : memref<80xi32, #tpu.memory_space<vmem>>) semaphore(%run_scoped3A : memref<!tpu.dma_semaphore, #tpu.memory_space<semaphore_mem>>)
          %dma_wait3A = tpu.memref_slice %arg7[%mul3A_30] : memref<2000xi32, #tpu.memory_space<vmem>> -> memref<80xi32, #tpu.memory_space<vmem>>
          %dma_wait3A_34 = arith.constant 0 : i32
          %dma_wait3A_35 = arith.constant 0 : i32
          %dma_wait3A_36 = tpu.memref_slice %arg2[%dma_wait3A_34, %dma_wait3A_35] : memref<20000x128xf32, #tpu.memory_space<hbm>> -> memref<20000x128xf32, #tpu.memory_space<hbm>>
          tpu.wait_indirect_dma semaphore(%run_scoped3A : memref<!tpu.dma_semaphore, #tpu.memory_space<semaphore_mem>>) src(%dma_wait3A_36 : memref<20000x128xf32, #tpu.memory_space<hbm>>) dst(%arg9 : memref<80x128xf32, #tpu.memory_space<vmem>>)
          tpu.yield
        }) : () -> ()
        "tpu.region"() ({
          %run_scoped3A = tpu.sem_alloc : memref<!tpu.dma_semaphore, #tpu.memory_space<semaphore_mem>>
          %dma_start3A = arith.constant 0 : i32
          %dma_start3A_31 = tpu.memref_slice %arg8[%scan3A_28, %dma_start3A] : memref<25x80xi32, #tpu.memory_space<vmem>> -> memref<1x80xi32, #tpu.memory_space<vmem>>
          %dma_start3A_32 = tpu.memref_squeeze %dma_start3A_31 : memref<1x80xi32, #tpu.memory_space<vmem>> -> memref<80xi32, #tpu.memory_space<vmem>>
          %dma_start3A_33 = arith.constant 0 : i32
          %dma_start3A_34 = arith.constant 0 : i32
          %dma_start3A_35 = tpu.memref_slice %arg10[%dma_start3A_33, %dma_start3A_34] : memref<10240x128xf32, #tpu.memory_space<vmem_shared>> -> memref<10240x128xf32, #tpu.memory_space<vmem_shared>>
          tpu.enqueue_indirect_dma source(%arg9 : memref<80x128xf32, #tpu.memory_space<vmem>>) target(%dma_start3A_35 : memref<10240x128xf32, #tpu.memory_space<vmem_shared>>) offsets(%dma_start3A_32 : memref<80xi32, #tpu.memory_space<vmem>>) semaphore(%run_scoped3A : memref<!tpu.dma_semaphore, #tpu.memory_space<semaphore_mem>>) {add = true}
          %dma_wait3A = arith.constant 0 : i32
          %dma_wait3A_36 = tpu.memref_slice %arg8[%scan3A_28, %dma_wait3A] : memref<25x80xi32, #tpu.memory_space<vmem>> -> memref<1x80xi32, #tpu.memory_space<vmem>>
          %dma_wait3A_37 = tpu.memref_squeeze %dma_wait3A_36 : memref<1x80xi32, #tpu.memory_space<vmem>> -> memref<80xi32, #tpu.memory_space<vmem>>
          %dma_wait3A_38 = arith.constant 0 : i32
          %dma_wait3A_39 = arith.constant 0 : i32
          %dma_wait3A_40 = tpu.memref_slice %arg10[%dma_wait3A_38, %dma_wait3A_39] : memref<10240x128xf32, #tpu.memory_space<vmem_shared>> -> memref<10240x128xf32, #tpu.memory_space<vmem_shared>>
          tpu.wait_indirect_dma semaphore(%run_scoped3A : memref<!tpu.dma_semaphore, #tpu.memory_space<semaphore_mem>>) src(%arg9 : memref<80x128xf32, #tpu.memory_space<vmem>>) dst(%dma_wait3A_40 : memref<10240x128xf32, #tpu.memory_space<vmem_shared>>)
          tpu.yield
        }) : () -> ()
      }
      %scan3A_27 = arith.constant 25 : i32
    }
    %scan3A_9 = arith.constant 10 : i32
    %barrier3A_10 = arith.constant 0 : index
    tpu.barrier barrier_id(%barrier3A_10)
    %mul3A_11 = arith.constant 640 : i32
    %mul3A_12 = arith.muli %mul3A_11, %arg1 : i32
    %mul3A_13 = arith.constant 640 : i32
    %mul3A_14 = arith.muli %mul3A_13, %arg1 : i32
    "tpu.region"() ({
      %run_scoped3A = tpu.sem_alloc : memref<!tpu.dma_semaphore, #tpu.memory_space<semaphore_mem>>
      %dma_start3A = arith.constant 0 : i32
      %dma_start3A_15 = tpu.memref_slice %arg6[%arg0, %mul3A_14, %dma_start3A] : memref<2x10240x128xf32, #tpu.memory_space<hbm>> -> memref<1x640x128xf32, #tpu.memory_space<hbm>>
      %dma_start3A_16 = tpu.memref_squeeze %dma_start3A_15 : memref<1x640x128xf32, #tpu.memory_space<hbm>> -> memref<640x128xf32, #tpu.memory_space<hbm>>
      %dma_start3A_17 = arith.constant 0 : i32
      %dma_start3A_18 = tpu.memref_slice %arg10[%mul3A_12, %dma_start3A_17] : memref<10240x128xf32, #tpu.memory_space<vmem_shared>> -> memref<640x128xf32, #tpu.memory_space<vmem_shared>>
      tpu.enqueue_dma source(%dma_start3A_18 : memref<640x128xf32, #tpu.memory_space<vmem_shared>>) target(%dma_start3A_16 : memref<640x128xf32, #tpu.memory_space<hbm>>) target_semaphore(%run_scoped3A : memref<!tpu.dma_semaphore, #tpu.memory_space<semaphore_mem>>)
      %dma_wait3A = arith.constant 0 : i32
      %dma_wait3A_19 = tpu.memref_slice %arg6[%arg0, %mul3A_14, %dma_wait3A] : memref<2x10240x128xf32, #tpu.memory_space<hbm>> -> memref<1x640x128xf32, #tpu.memory_space<hbm>>
      %dma_wait3A_20 = tpu.memref_squeeze %dma_wait3A_19 : memref<1x640x128xf32, #tpu.memory_space<hbm>> -> memref<640x128xf32, #tpu.memory_space<hbm>>
      %dma_wait3A_21 = arith.constant 0 : i32
      %dma_wait3A_22 = tpu.memref_slice %arg10[%mul3A_12, %dma_wait3A_21] : memref<10240x128xf32, #tpu.memory_space<vmem_shared>> -> memref<640x128xf32, #tpu.memory_space<vmem_shared>>
      tpu.wait_dma2 semaphore(%run_scoped3A : memref<!tpu.dma_semaphore, #tpu.memory_space<semaphore_mem>>) src(%dma_wait3A_22 : memref<640x128xf32, #tpu.memory_space<vmem_shared>>) dst(%dma_wait3A_20 : memref<640x128xf32, #tpu.memory_space<hbm>>)
      tpu.yield
    }) : () -> ()
    return
  }
}

module attributes {stable_mosaic.version = 14 : i64} {
  func.func @_b_body(%arg0: memref<2x10000x1xf32, #tpu.memory_space<vmem>>, %arg1: memref<10000x128xf32, #tpu.memory_space<vmem>>, %arg2: memref<10000x1xf32, #tpu.memory_space<vmem>>, %arg3: memref<10000x128xf32, #tpu.memory_space<vmem>>) attributes {dimension_semantics = [], scalar_prefetch = 0 : i64, scratch_operands = 0 : i64, tpu.core_type = #tpu.core_type<tc>} {
    %get3A = arith.constant 0 : index
    %get3A_0 = arith.constant 0 : index
    %get3A_1 = arith.constant 0 : index
    %get3A_2 = vector.load %arg0[%get3A, %get3A_0, %get3A_1] : memref<2x10000x1xf32, #tpu.memory_space<vmem>>, vector<2x10000x1xf32>
    %slice3A = vector.extract_strided_slice %get3A_2 {offsets = [0, 0, 0], sizes = [1, 10000, 1], strides = [1, 1, 1]} : vector<2x10000x1xf32> to vector<1x10000x1xf32>
    %squeeze3A = vector.shape_cast %slice3A : vector<1x10000x1xf32> to vector<10000x1xf32>
    %slice3A_3 = vector.extract_strided_slice %get3A_2 {offsets = [1, 0, 0], sizes = [1, 10000, 1], strides = [1, 1, 1]} : vector<2x10000x1xf32> to vector<1x10000x1xf32>
    %squeeze3A_4 = vector.shape_cast %slice3A_3 : vector<1x10000x1xf32> to vector<10000x1xf32>
    %add3A = arith.addf %squeeze3A, %squeeze3A_4 : vector<10000x1xf32>
    %add3A_5 = arith.constant 1.000000e+00 : f32
    %add3A_6 = vector.broadcast %add3A_5 : f32 to vector<10000x1xf32>
    %add3A_7 = arith.addf %add3A, %add3A_6 : vector<10000x1xf32>
    %rsqrt3A = math.rsqrt %add3A_7 : vector<10000x1xf32>
    %swap3A = arith.constant 0 : index
    %swap3A_8 = arith.constant 0 : index
    %swap3A_9 = vector.load %arg2[%swap3A, %swap3A_8] : memref<10000x1xf32, #tpu.memory_space<vmem>>, vector<10000x1xf32>
    tpu.vector_store %arg2[%swap3A, %swap3A_8], %rsqrt3A {strides = array<i32>} : memref<10000x1xf32, #tpu.memory_space<vmem>>, vector<10000x1xf32>,
    %get3A_10 = arith.constant 0 : index
    %get3A_11 = arith.constant 0 : index
    %get3A_12 = vector.load %arg1[%get3A_10, %get3A_11] : memref<10000x128xf32, #tpu.memory_space<vmem>>, vector<10000x128xf32>
    %mul3A = vector.broadcast %rsqrt3A : vector<10000x1xf32> to vector<10000x128xf32>
    %mul3A_13 = arith.mulf %get3A_12, %mul3A : vector<10000x128xf32>
    %swap3A_14 = arith.constant 0 : index
    %swap3A_15 = arith.constant 0 : index
    %swap3A_16 = vector.load %arg3[%swap3A_14, %swap3A_15] : memref<10000x128xf32, #tpu.memory_space<vmem>>, vector<10000x128xf32>
    tpu.vector_store %arg3[%swap3A_14, %swap3A_15], %mul3A_13 {strides = array<i32>} : memref<10000x128xf32, #tpu.memory_space<vmem>>, vector<10000x128xf32>,
    return
  }
}

module attributes {stable_mosaic.version = 14 : i64} {
  func.func @_d1_body(%arg0: i32, %arg1: memref<2x1000x128xf32, #tpu.memory_space<vmem>>, %arg2: memref<1000x128xf32, #tpu.memory_space<vmem>>, %arg3: memref<1000x1xf32, #tpu.memory_space<vmem>>, %arg4: memref<128x256xf32, #tpu.memory_space<vmem>>, %arg5: memref<1x256xf32, #tpu.memory_space<vmem>>, %arg6: memref<2x1000x128xf32, #tpu.memory_space<vmem>>) attributes {dimension_semantics = [#tpu.dimension_semantics<arbitrary>], iteration_bounds = array<i64: 10>, scalar_prefetch = 0 : i64, scratch_operands = 0 : i64, tpu.core_type = #tpu.core_type<tc>, window_params = [{transform_indices = @transform_0, window_bounds = array<i64: 2, 1000, 128>}, {transform_indices = @transform_1, window_bounds = array<i64: 1000, 128>}, {transform_indices = @transform_2, window_bounds = array<i64: 1000, 1>}, {pipeline_mode = #tpu.pipeline_mode<synchronous>, transform_indices = @transform_3, window_bounds = array<i64: 128, 256>}, {pipeline_mode = #tpu.pipeline_mode<synchronous>, transform_indices = @transform_4, window_bounds = array<i64: 1, 256>}, {transform_indices = @transform_5, window_bounds = array<i64: 2, 1000, 128>}]} {
    %get3A = arith.constant 0 : index
    %get3A_0 = arith.constant 0 : index
    %get3A_1 = vector.load %arg3[%get3A, %get3A_0] : memref<1000x1xf32, #tpu.memory_space<vmem>>, vector<1000x1xf32>
    %get3A_2 = arith.constant 0 : index
    %get3A_3 = arith.constant 0 : index
    %get3A_4 = arith.constant 0 : index
    %get3A_5 = vector.load %arg1[%get3A_2, %get3A_3, %get3A_4] : memref<2x1000x128xf32, #tpu.memory_space<vmem>>, vector<1x1000x128xf32>
    %get3A_6 = vector.shape_cast %get3A_5 : vector<1x1000x128xf32> to vector<1000x128xf32>
    %get3A_7 = arith.constant 1 : index
    %get3A_8 = arith.constant 0 : index
    %get3A_9 = arith.constant 0 : index
    %get3A_10 = vector.load %arg1[%get3A_7, %get3A_8, %get3A_9] : memref<2x1000x128xf32, #tpu.memory_space<vmem>>, vector<1x1000x128xf32>
    %get3A_11 = vector.shape_cast %get3A_10 : vector<1x1000x128xf32> to vector<1000x128xf32>
    %add3A = arith.addf %get3A_6, %get3A_11 : vector<1000x128xf32>
    %get3A_12 = arith.constant 0 : index
    %get3A_13 = arith.constant 0 : index
    %get3A_14 = vector.load %arg2[%get3A_12, %get3A_13] : memref<1000x128xf32, #tpu.memory_space<vmem>>, vector<1000x128xf32>
    %add3A_15 = arith.addf %add3A, %get3A_14 : vector<1000x128xf32>
    %mul3A = vector.broadcast %get3A_1 : vector<1000x1xf32> to vector<1000x128xf32>
    %mul3A_16 = arith.mulf %add3A_15, %mul3A : vector<1000x128xf32>
    %get3A_17 = arith.constant 0 : index
    %get3A_18 = arith.constant 0 : index
    %get3A_19 = vector.load %arg4[%get3A_17, %get3A_18] : memref<128x256xf32, #tpu.memory_space<vmem>>, vector<128x256xf32>
    %dot_general3A = arith.constant dense<0.000000e+00> : vector<1000x256xf32>
    %dot_general3A_20 = tpu.matmul %mul3A_16, %get3A_19, %dot_general3A {dimension_numbers = #tpu.dot_dimension_numbers<[1], [0], [0], [1], [0, 0, 1, 1], [], []>, precision = #tpu.contract_precision<fp32>, transpose_lhs_hint = false} : vector<1000x128xf32>, vector<128x256xf32>, vector<1000x256xf32> -> vector<1000x256xf32>
    %get3A_21 = arith.constant 0 : index
    %get3A_22 = arith.constant 0 : index
    %get3A_23 = vector.load %arg5[%get3A_21, %get3A_22] : memref<1x256xf32, #tpu.memory_space<vmem>>, vector<1x256xf32>
    %add3A_24 = vector.broadcast %get3A_23 : vector<1x256xf32> to vector<1000x256xf32>
    %add3A_25 = arith.addf %dot_general3A_20, %add3A_24 : vector<1000x256xf32>
    %max3A = arith.constant 0.000000e+00 : f32
    %max3A_26 = vector.broadcast %max3A : f32 to vector<1000x256xf32>
    %max3A_27 = arith.maximumf %add3A_25, %max3A_26 : vector<1000x256xf32>
    %mul3A_28 = vector.broadcast %get3A_1 : vector<1000x1xf32> to vector<1000x256xf32>
    %mul3A_29 = arith.mulf %max3A_27, %mul3A_28 : vector<1000x256xf32>
    %slice3A = vector.extract_strided_slice %mul3A_29 {offsets = [0, 0], sizes = [1000, 128], strides = [1, 1]} : vector<1000x256xf32> to vector<1000x128xf32>
    %slice3A_30 = vector.extract_strided_slice %mul3A_29 {offsets = [0, 128], sizes = [1000, 128], strides = [1, 1]} : vector<1000x256xf32> to vector<1000x128xf32>
    %stack3A = vector.shape_cast %slice3A : vector<1000x128xf32> to vector<1x1000x128xf32>
    %stack3A_31 = vector.shape_cast %slice3A_30 : vector<1000x128xf32> to vector<1x1000x128xf32>
    %stack3A_32 = tpu.concatenate %stack3A, %stack3A_31 in 0 : vector<1x1000x128xf32>, vector<1x1000x128xf32> -> vector<2x1000x128xf32>
    %swap3A = arith.constant 0 : index
    %swap3A_33 = arith.constant 0 : index
    %swap3A_34 = arith.constant 0 : index
    %swap3A_35 = vector.load %arg6[%swap3A, %swap3A_33, %swap3A_34] : memref<2x1000x128xf32, #tpu.memory_space<vmem>>, vector<2x1000x128xf32>
    tpu.vector_store %arg6[%swap3A, %swap3A_33, %swap3A_34], %stack3A_32 {strides = array<i32>} : memref<2x1000x128xf32, #tpu.memory_space<vmem>>, vector<2x1000x128xf32>,
    return
  }
  func.func @transform_0(%arg0: i32) -> (i32, i32, i32) {
    %c0_i32 = arith.constant 0 : i32
    %c0_i32_0 = arith.constant 0 : i32
    %c0_i32_1 = arith.constant 0 : i32
    return %c0_i32, %arg0, %c0_i32_0 : i32, i32, i32
  }
  func.func @transform_1(%arg0: i32) -> (i32, i32) {
    %c0_i32 = arith.constant 0 : i32
    %c0_i32_0 = arith.constant 0 : i32
    return %arg0, %c0_i32 : i32, i32
  }
  func.func @transform_2(%arg0: i32) -> (i32, i32) {
    %c0_i32 = arith.constant 0 : i32
    %c0_i32_0 = arith.constant 0 : i32
    return %arg0, %c0_i32 : i32, i32
  }
  func.func @transform_3(%arg0: i32) -> (i32, i32) {
    %c0_i32 = arith.constant 0 : i32
    %c0_i32_0 = arith.constant 0 : i32
    %c0_i32_1 = arith.constant 0 : i32
    return %c0_i32, %c0_i32_0 : i32, i32
  }
  func.func @transform_4(%arg0: i32) -> (i32, i32) {
    %c0_i32 = arith.constant 0 : i32
    %c0_i32_0 = arith.constant 0 : i32
    %c0_i32_1 = arith.constant 0 : i32
    return %c0_i32, %c0_i32_0 : i32, i32
  }
  func.func @transform_5(%arg0: i32) -> (i32, i32, i32) {
    %c0_i32 = arith.constant 0 : i32
    %c0_i32_0 = arith.constant 0 : i32
    %c0_i32_1 = arith.constant 0 : i32
    return %c0_i32, %arg0, %c0_i32_0 : i32, i32, i32
  }
}

module attributes {stable_mosaic.version = 14 : i64} {
  func.func @_d2_body(%arg0: i32, %arg1: memref<2x1000x128xf32, #tpu.memory_space<vmem>>, %arg2: memref<2x1000x128xf32, #tpu.memory_space<vmem>>, %arg3: memref<1000x1xf32, #tpu.memory_space<vmem>>, %arg4: memref<128x256xf32, #tpu.memory_space<vmem>>, %arg5: memref<128x256xf32, #tpu.memory_space<vmem>>, %arg6: memref<1x256xf32, #tpu.memory_space<vmem>>, %arg7: memref<2x1000x128xf32, #tpu.memory_space<vmem>>) attributes {dimension_semantics = [#tpu.dimension_semantics<arbitrary>], iteration_bounds = array<i64: 10>, scalar_prefetch = 0 : i64, scratch_operands = 0 : i64, tpu.core_type = #tpu.core_type<tc>, window_params = [{transform_indices = @transform_0, window_bounds = array<i64: 2, 1000, 128>}, {transform_indices = @transform_1, window_bounds = array<i64: 2, 1000, 128>}, {transform_indices = @transform_2, window_bounds = array<i64: 1000, 1>}, {pipeline_mode = #tpu.pipeline_mode<synchronous>, transform_indices = @transform_3, window_bounds = array<i64: 128, 256>}, {pipeline_mode = #tpu.pipeline_mode<synchronous>, transform_indices = @transform_4, window_bounds = array<i64: 128, 256>}, {pipeline_mode = #tpu.pipeline_mode<synchronous>, transform_indices = @transform_5, window_bounds = array<i64: 1, 256>}, {transform_indices = @transform_6, window_bounds = array<i64: 2, 1000, 128>}]} {
    %get3A = arith.constant 0 : index
    %get3A_0 = arith.constant 0 : index
    %get3A_1 = vector.load %arg3[%get3A, %get3A_0] : memref<1000x1xf32, #tpu.memory_space<vmem>>, vector<1000x1xf32>
    %get3A_2 = arith.constant 0 : index
    %get3A_3 = arith.constant 0 : index
    %get3A_4 = arith.constant 0 : index
    %get3A_5 = vector.load %arg1[%get3A_2, %get3A_3, %get3A_4] : memref<2x1000x128xf32, #tpu.memory_space<vmem>>, vector<1x1000x128xf32>
    %get3A_6 = vector.shape_cast %get3A_5 : vector<1x1000x128xf32> to vector<1000x128xf32>
    %get3A_7 = arith.constant 0 : index
    %get3A_8 = arith.constant 0 : index
    %get3A_9 = arith.constant 0 : index
    %get3A_10 = vector.load %arg2[%get3A_7, %get3A_8, %get3A_9] : memref<2x1000x128xf32, #tpu.memory_space<vmem>>, vector<1x1000x128xf32>
    %get3A_11 = vector.shape_cast %get3A_10 : vector<1x1000x128xf32> to vector<1000x128xf32>
    %add3A = arith.addf %get3A_6, %get3A_11 : vector<1000x128xf32>
    %mul3A = vector.broadcast %get3A_1 : vector<1000x1xf32> to vector<1000x128xf32>
    %mul3A_12 = arith.mulf %add3A, %mul3A : vector<1000x128xf32>
    %get3A_13 = arith.constant 1 : index
    %get3A_14 = arith.constant 0 : index
    %get3A_15 = arith.constant 0 : index
    %get3A_16 = vector.load %arg1[%get3A_13, %get3A_14, %get3A_15] : memref<2x1000x128xf32, #tpu.memory_space<vmem>>, vector<1x1000x128xf32>
    %get3A_17 = vector.shape_cast %get3A_16 : vector<1x1000x128xf32> to vector<1000x128xf32>
    %get3A_18 = arith.constant 1 : index
    %get3A_19 = arith.constant 0 : index
    %get3A_20 = arith.constant 0 : index
    %get3A_21 = vector.load %arg2[%get3A_18, %get3A_19, %get3A_20] : memref<2x1000x128xf32, #tpu.memory_space<vmem>>, vector<1x1000x128xf32>
    %get3A_22 = vector.shape_cast %get3A_21 : vector<1x1000x128xf32> to vector<1000x128xf32>
    %add3A_23 = arith.addf %get3A_17, %get3A_22 : vector<1000x128xf32>
    %mul3A_24 = vector.broadcast %get3A_1 : vector<1000x1xf32> to vector<1000x128xf32>
    %mul3A_25 = arith.mulf %add3A_23, %mul3A_24 : vector<1000x128xf32>
    %get3A_26 = arith.constant 0 : index
    %get3A_27 = arith.constant 0 : index
    %get3A_28 = vector.load %arg4[%get3A_26, %get3A_27] : memref<128x256xf32, #tpu.memory_space<vmem>>, vector<128x256xf32>
    %dot_general3A = arith.constant dense<0.000000e+00> : vector<1000x256xf32>
    %dot_general3A_29 = tpu.matmul %mul3A_12, %get3A_28, %dot_general3A {dimension_numbers = #tpu.dot_dimension_numbers<[1], [0], [0], [1], [0, 0, 1, 1], [], []>, precision = #tpu.contract_precision<fp32>, transpose_lhs_hint = false} : vector<1000x128xf32>, vector<128x256xf32>, vector<1000x256xf32> -> vector<1000x256xf32>
    %get3A_30 = arith.constant 0 : index
    %get3A_31 = arith.constant 0 : index
    %get3A_32 = vector.load %arg5[%get3A_30, %get3A_31] : memref<128x256xf32, #tpu.memory_space<vmem>>, vector<128x256xf32>
    %dot_general3A_33 = arith.constant dense<0.000000e+00> : vector<1000x256xf32>
    %dot_general3A_34 = tpu.matmul %mul3A_25, %get3A_32, %dot_general3A_33 {dimension_numbers = #tpu.dot_dimension_numbers<[1], [0], [0], [1], [0, 0, 1, 1], [], []>, precision = #tpu.contract_precision<fp32>, transpose_lhs_hint = false} : vector<1000x128xf32>, vector<128x256xf32>, vector<1000x256xf32> -> vector<1000x256xf32>
    %add3A_35 = arith.addf %dot_general3A_29, %dot_general3A_34 : vector<1000x256xf32>
    %get3A_36 = arith.constant 0 : index
    %get3A_37 = arith.constant 0 : index
    %get3A_38 = vector.load %arg6[%get3A_36, %get3A_37] : memref<1x256xf32, #tpu.memory_space<vmem>>, vector<1x256xf32>
    %add3A_39 = vector.broadcast %get3A_38 : vector<1x256xf32> to vector<1000x256xf32>
    %add3A_40 = arith.addf %add3A_35, %add3A_39 : vector<1000x256xf32>
    %max3A = arith.constant 0.000000e+00 : f32
    %max3A_41 = vector.broadcast %max3A : f32 to vector<1000x256xf32>
    %max3A_42 = arith.maximumf %add3A_40, %max3A_41 : vector<1000x256xf32>
    %mul3A_43 = vector.broadcast %get3A_1 : vector<1000x1xf32> to vector<1000x256xf32>
    %mul3A_44 = arith.mulf %max3A_42, %mul3A_43 : vector<1000x256xf32>
    %slice3A = vector.extract_strided_slice %mul3A_44 {offsets = [0, 0], sizes = [1000, 128], strides = [1, 1]} : vector<1000x256xf32> to vector<1000x128xf32>
    %slice3A_45 = vector.extract_strided_slice %mul3A_44 {offsets = [0, 128], sizes = [1000, 128], strides = [1, 1]} : vector<1000x256xf32> to vector<1000x128xf32>
    %stack3A = vector.shape_cast %slice3A : vector<1000x128xf32> to vector<1x1000x128xf32>
    %stack3A_46 = vector.shape_cast %slice3A_45 : vector<1000x128xf32> to vector<1x1000x128xf32>
    %stack3A_47 = tpu.concatenate %stack3A, %stack3A_46 in 0 : vector<1x1000x128xf32>, vector<1x1000x128xf32> -> vector<2x1000x128xf32>
    %swap3A = arith.constant 0 : index
    %swap3A_48 = arith.constant 0 : index
    %swap3A_49 = arith.constant 0 : index
    %swap3A_50 = vector.load %arg7[%swap3A, %swap3A_48, %swap3A_49] : memref<2x1000x128xf32, #tpu.memory_space<vmem>>, vector<2x1000x128xf32>
    tpu.vector_store %arg7[%swap3A, %swap3A_48, %swap3A_49], %stack3A_47 {strides = array<i32>} : memref<2x1000x128xf32, #tpu.memory_space<vmem>>, vector<2x1000x128xf32>,
    return
  }
  func.func @transform_0(%arg0: i32) -> (i32, i32, i32) {
    %c0_i32 = arith.constant 0 : i32
    %c0_i32_0 = arith.constant 0 : i32
    %c0_i32_1 = arith.constant 0 : i32
    return %c0_i32, %arg0, %c0_i32_0 : i32, i32, i32
  }
  func.func @transform_1(%arg0: i32) -> (i32, i32, i32) {
    %c0_i32 = arith.constant 0 : i32
    %c0_i32_0 = arith.constant 0 : i32
    %c0_i32_1 = arith.constant 0 : i32
    return %c0_i32, %arg0, %c0_i32_0 : i32, i32, i32
  }
  func.func @transform_2(%arg0: i32) -> (i32, i32) {
    %c0_i32 = arith.constant 0 : i32
    %c0_i32_0 = arith.constant 0 : i32
    return %arg0, %c0_i32 : i32, i32
  }
  func.func @transform_3(%arg0: i32) -> (i32, i32) {
    %c0_i32 = arith.constant 0 : i32
    %c0_i32_0 = arith.constant 0 : i32
    %c0_i32_1 = arith.constant 0 : i32
    return %c0_i32, %c0_i32_0 : i32, i32
  }
  func.func @transform_4(%arg0: i32) -> (i32, i32) {
    %c0_i32 = arith.constant 0 : i32
    %c0_i32_0 = arith.constant 0 : i32
    %c0_i32_1 = arith.constant 0 : i32
    return %c0_i32, %c0_i32_0 : i32, i32
  }
  func.func @transform_5(%arg0: i32) -> (i32, i32) {
    %c0_i32 = arith.constant 0 : i32
    %c0_i32_0 = arith.constant 0 : i32
    %c0_i32_1 = arith.constant 0 : i32
    return %c0_i32, %c0_i32_0 : i32, i32
  }
  func.func @transform_6(%arg0: i32) -> (i32, i32, i32) {
    %c0_i32 = arith.constant 0 : i32
    %c0_i32_0 = arith.constant 0 : i32
    %c0_i32_1 = arith.constant 0 : i32
    return %c0_i32, %arg0, %c0_i32_0 : i32, i32, i32
  }
}

module attributes {stable_mosaic.version = 14 : i64} {
  func.func @_d3_body(%arg0: i32, %arg1: memref<2x1000x128xf32, #tpu.memory_space<vmem>>, %arg2: memref<2x1000x128xf32, #tpu.memory_space<vmem>>, %arg3: memref<1000x1xf32, #tpu.memory_space<vmem>>, %arg4: memref<1000x1xi32, #tpu.memory_space<vmem>>, %arg5: memref<128x256xf32, #tpu.memory_space<vmem>>, %arg6: memref<128x256xf32, #tpu.memory_space<vmem>>, %arg7: memref<1x256xf32, #tpu.memory_space<vmem>>, %arg8: memref<256x64xf32, #tpu.memory_space<vmem>>, %arg9: memref<1x64xf32, #tpu.memory_space<vmem>>, %arg10: memref<64x1xf32, #tpu.memory_space<vmem>>, %arg11: memref<1x1xf32, #tpu.memory_space<vmem>>, %arg12: memref<64x1xf32, #tpu.memory_space<vmem>>, %arg13: memref<64x256xf32, #tpu.memory_space<vmem>>, %arg14: memref<64x1xf32, #tpu.memory_space<vmem>>) attributes {dimension_semantics = [#tpu.dimension_semantics<arbitrary>], iteration_bounds = array<i64: 10>, scalar_prefetch = 0 : i64, scratch_operands = 2 : i64, tpu.core_type = #tpu.core_type<tc>, window_params = [{transform_indices = @transform_0, window_bounds = array<i64: 2, 1000, 128>}, {transform_indices = @transform_1, window_bounds = array<i64: 2, 1000, 128>}, {transform_indices = @transform_2, window_bounds = array<i64: 1000, 1>}, {transform_indices = @transform_3, window_bounds = array<i64: 1000, 1>}, {pipeline_mode = #tpu.pipeline_mode<synchronous>, transform_indices = @transform_4, window_bounds = array<i64: 128, 256>}, {pipeline_mode = #tpu.pipeline_mode<synchronous>, transform_indices = @transform_5, window_bounds = array<i64: 128, 256>}, {pipeline_mode = #tpu.pipeline_mode<synchronous>, transform_indices = @transform_6, window_bounds = array<i64: 1, 256>}, {pipeline_mode = #tpu.pipeline_mode<synchronous>, transform_indices = @transform_7, window_bounds = array<i64: 256, 64>}, {pipeline_mode = #tpu.pipeline_mode<synchronous>, transform_indices = @transform_8, window_bounds = array<i64: 1, 64>}, {pipeline_mode = #tpu.pipeline_mode<synchronous>, transform_indices = @transform_9, window_bounds = array<i64: 64, 1>}, {pipeline_mode = #tpu.pipeline_mode<synchronous>, transform_indices = @transform_10, window_bounds = array<i64: 1, 1>}, {pipeline_mode = #tpu.pipeline_mode<synchronous>, transform_indices = @transform_11, window_bounds = array<i64: 64, 1>}]} {
    %get3A = arith.constant 0 : index
    %get3A_0 = arith.constant 0 : index
    %get3A_1 = vector.load %arg3[%get3A, %get3A_0] : memref<1000x1xf32, #tpu.memory_space<vmem>>, vector<1000x1xf32>
    %get3A_2 = arith.constant 0 : index
    %get3A_3 = arith.constant 0 : index
    %get3A_4 = arith.constant 0 : index
    %get3A_5 = vector.load %arg1[%get3A_2, %get3A_3, %get3A_4] : memref<2x1000x128xf32, #tpu.memory_space<vmem>>, vector<1x1000x128xf32>
    %get3A_6 = vector.shape_cast %get3A_5 : vector<1x1000x128xf32> to vector<1000x128xf32>
    %get3A_7 = arith.constant 0 : index
    %get3A_8 = arith.constant 0 : index
    %get3A_9 = arith.constant 0 : index
    %get3A_10 = vector.load %arg2[%get3A_7, %get3A_8, %get3A_9] : memref<2x1000x128xf32, #tpu.memory_space<vmem>>, vector<1x1000x128xf32>
    %get3A_11 = vector.shape_cast %get3A_10 : vector<1x1000x128xf32> to vector<1000x128xf32>
    %add3A = arith.addf %get3A_6, %get3A_11 : vector<1000x128xf32>
    %mul3A = vector.broadcast %get3A_1 : vector<1000x1xf32> to vector<1000x128xf32>
    %mul3A_12 = arith.mulf %add3A, %mul3A : vector<1000x128xf32>
    %get3A_13 = arith.constant 1 : index
    %get3A_14 = arith.constant 0 : index
    %get3A_15 = arith.constant 0 : index
    %get3A_16 = vector.load %arg1[%get3A_13, %get3A_14, %get3A_15] : memref<2x1000x128xf32, #tpu.memory_space<vmem>>, vector<1x1000x128xf32>
    %get3A_17 = vector.shape_cast %get3A_16 : vector<1x1000x128xf32> to vector<1000x128xf32>
    %get3A_18 = arith.constant 1 : index
    %get3A_19 = arith.constant 0 : index
    %get3A_20 = arith.constant 0 : index
    %get3A_21 = vector.load %arg2[%get3A_18, %get3A_19, %get3A_20] : memref<2x1000x128xf32, #tpu.memory_space<vmem>>, vector<1x1000x128xf32>
    %get3A_22 = vector.shape_cast %get3A_21 : vector<1x1000x128xf32> to vector<1000x128xf32>
    %add3A_23 = arith.addf %get3A_17, %get3A_22 : vector<1000x128xf32>
    %mul3A_24 = vector.broadcast %get3A_1 : vector<1000x1xf32> to vector<1000x128xf32>
    %mul3A_25 = arith.mulf %add3A_23, %mul3A_24 : vector<1000x128xf32>
    %get3A_26 = arith.constant 0 : index
    %get3A_27 = arith.constant 0 : index
    %get3A_28 = vector.load %arg5[%get3A_26, %get3A_27] : memref<128x256xf32, #tpu.memory_space<vmem>>, vector<128x256xf32>
    %dot_general3A = arith.constant dense<0.000000e+00> : vector<1000x256xf32>
    %dot_general3A_29 = tpu.matmul %mul3A_12, %get3A_28, %dot_general3A {dimension_numbers = #tpu.dot_dimension_numbers<[1], [0], [0], [1], [0, 0, 1, 1], [], []>, precision = #tpu.contract_precision<fp32>, transpose_lhs_hint = false} : vector<1000x128xf32>, vector<128x256xf32>, vector<1000x256xf32> -> vector<1000x256xf32>
    %get3A_30 = arith.constant 0 : index
    %get3A_31 = arith.constant 0 : index
    %get3A_32 = vector.load %arg6[%get3A_30, %get3A_31] : memref<128x256xf32, #tpu.memory_space<vmem>>, vector<128x256xf32>
    %dot_general3A_33 = arith.constant dense<0.000000e+00> : vector<1000x256xf32>
    %dot_general3A_34 = tpu.matmul %mul3A_25, %get3A_32, %dot_general3A_33 {dimension_numbers = #tpu.dot_dimension_numbers<[1], [0], [0], [1], [0, 0, 1, 1], [], []>, precision = #tpu.contract_precision<fp32>, transpose_lhs_hint = false} : vector<1000x128xf32>, vector<128x256xf32>, vector<1000x256xf32> -> vector<1000x256xf32>
    %add3A_35 = arith.addf %dot_general3A_29, %dot_general3A_34 : vector<1000x256xf32>
    %get3A_36 = arith.constant 0 : index
    %get3A_37 = arith.constant 0 : index
    %get3A_38 = vector.load %arg7[%get3A_36, %get3A_37] : memref<1x256xf32, #tpu.memory_space<vmem>>, vector<1x256xf32>
    %add3A_39 = vector.broadcast %get3A_38 : vector<1x256xf32> to vector<1000x256xf32>
    %add3A_40 = arith.addf %add3A_35, %add3A_39 : vector<1000x256xf32>
    %iota3A = tpu.iota {dimensions = array<i32: 1>} : vector<1x64xi32>
    %get3A_41 = arith.constant 0 : index
    %get3A_42 = arith.constant 0 : index
    %get3A_43 = vector.load %arg4[%get3A_41, %get3A_42] : memref<1000x1xi32, #tpu.memory_space<vmem>>, vector<1000x1xi32>
    %eq3A = vector.broadcast %get3A_43 : vector<1000x1xi32> to vector<1000x64xi32>
    %eq3A_44 = vector.broadcast %iota3A : vector<1x64xi32> to vector<1000x64xi32>
    %eq3A_45 = arith.cmpi eq, %eq3A, %eq3A_44 : vector<1000x64xi32>
    %convert_element_type3A = arith.extui %eq3A_45 : vector<1000x64xi1> to vector<1000x64xi32>
    %convert_element_type3A_46 = arith.sitofp %convert_element_type3A : vector<1000x64xi32> to vector<1000x64xf32>
    %eq3A_47 = arith.constant 0 : i32
    %eq3A_48 = arith.cmpi eq, %arg0, %eq3A_47 : i32
    %convert_element_type3A_49 = arith.extui %eq3A_48 : i1 to i32
    %cond3A = arith.constant 0 : i32
    %cond3A_50 = arith.cmpi ne, %convert_element_type3A_49, %cond3A : i32
    scf.if %cond3A_50 {
      %broadcast_in_dim3A_74 = arith.constant 0.000000e+00 : f32
      %broadcast_in_dim3A_75 = vector.broadcast %broadcast_in_dim3A_74 : f32 to vector<64x256xf32>
      %swap3A_76 = arith.constant 0 : index
      %swap3A_77 = arith.constant 0 : index
      %swap3A_78 = vector.load %arg13[%swap3A_76, %swap3A_77] : memref<64x256xf32, #tpu.memory_space<vmem>>, vector<64x256xf32>
      tpu.vector_store %arg13[%swap3A_76, %swap3A_77], %broadcast_in_dim3A_75 {strides = array<i32>} : memref<64x256xf32, #tpu.memory_space<vmem>>, vector<64x256xf32>,
      %broadcast_in_dim3A_79 = arith.constant 0.000000e+00 : f32
      %broadcast_in_dim3A_80 = vector.broadcast %broadcast_in_dim3A_79 : f32 to vector<64x1xf32>
      %swap3A_81 = arith.constant 0 : index
      %swap3A_82 = arith.constant 0 : index
      %swap3A_83 = vector.load %arg14[%swap3A_81, %swap3A_82] : memref<64x1xf32, #tpu.memory_space<vmem>>, vector<64x1xf32>
      tpu.vector_store %arg14[%swap3A_81, %swap3A_82], %broadcast_in_dim3A_80 {strides = array<i32>} : memref<64x1xf32, #tpu.memory_space<vmem>>, vector<64x1xf32>,
    } else {
    }
    %get3A_51 = arith.constant 0 : index
    %get3A_52 = arith.constant 0 : index
    %get3A_53 = vector.load %arg13[%get3A_51, %get3A_52] : memref<64x256xf32, #tpu.memory_space<vmem>>, vector<64x256xf32>
    %dot_general3A_54 = arith.constant dense<0.000000e+00> : vector<64x256xf32>
    %dot_general3A_55 = tpu.matmul %convert_element_type3A_46, %add3A_40, %dot_general3A_54 {dimension_numbers = #tpu.dot_dimension_numbers<[0], [0], [1], [1], [0, 1, 1, 1], [], []>, precision = #tpu.contract_precision<fp32>, transpose_lhs_hint = false} : vector<1000x64xf32>, vector<1000x256xf32>, vector<64x256xf32> -> vector<64x256xf32>
    %add3A_56 = arith.addf %get3A_53, %dot_general3A_55 : vector<64x256xf32>
    %swap3A = arith.constant 0 : index
    %swap3A_57 = arith.constant 0 : index
    %swap3A_58 = vector.load %arg13[%swap3A, %swap3A_57] : memref<64x256xf32, #tpu.memory_space<vmem>>, vector<64x256xf32>
    tpu.vector_store %arg13[%swap3A, %swap3A_57], %add3A_56 {strides = array<i32>} : memref<64x256xf32, #tpu.memory_space<vmem>>, vector<64x256xf32>,
    %get3A_59 = arith.constant 0 : index
    %get3A_60 = arith.constant 0 : index
    %get3A_61 = vector.load %arg14[%get3A_59, %get3A_60] : memref<64x1xf32, #tpu.memory_space<vmem>>, vector<64x1xf32>
    %broadcast_in_dim3A = arith.constant 1.000000e+00 : f32
    %broadcast_in_dim3A_62 = vector.broadcast %broadcast_in_dim3A : f32 to vector<1000x1xf32>
    %dot_general3A_63 = arith.constant dense<0.000000e+00> : vector<64x1xf32>
    %dot_general3A_64 = tpu.matmul %convert_element_type3A_46, %broadcast_in_dim3A_62, %dot_general3A_63 {dimension_numbers = #tpu.dot_dimension_numbers<[0], [0], [1], [1], [0, 1, 1, 1], [], []>, precision = #tpu.contract_precision<fp32>, transpose_lhs_hint = false} : vector<1000x64xf32>, vector<1000x1xf32>, vector<64x1xf32> -> vector<64x1xf32>
    %add3A_65 = arith.addf %get3A_61, %dot_general3A_64 : vector<64x1xf32>
    %swap3A_66 = arith.constant 0 : index
    %swap3A_67 = arith.constant 0 : index
    %swap3A_68 = vector.load %arg14[%swap3A_66, %swap3A_67] : memref<64x1xf32, #tpu.memory_space<vmem>>, vector<64x1xf32>
    tpu.vector_store %arg14[%swap3A_66, %swap3A_67], %add3A_65 {strides = array<i32>} : memref<64x1xf32, #tpu.memory_space<vmem>>, vector<64x1xf32>,
    %eq3A_69 = arith.constant 9 : i32
    %eq3A_70 = arith.cmpi eq, %arg0, %eq3A_69 : i32
    %convert_element_type3A_71 = arith.extui %eq3A_70 : i1 to i32
    %cond3A_72 = arith.constant 0 : i32
    %cond3A_73 = arith.cmpi ne, %convert_element_type3A_71, %cond3A_72 : i32
    scf.if %cond3A_73 {
      %get3A_74 = arith.constant 0 : index
      %get3A_75 = arith.constant 0 : index
      %get3A_76 = vector.load %arg13[%get3A_74, %get3A_75] : memref<64x256xf32, #tpu.memory_space<vmem>>, vector<64x256xf32>
      %get3A_77 = arith.constant 0 : index
      %get3A_78 = arith.constant 0 : index
      %get3A_79 = vector.load %arg14[%get3A_77, %get3A_78] : memref<64x1xf32, #tpu.memory_space<vmem>>, vector<64x1xf32>
      %max3A = arith.constant 1.000000e+00 : f32
      %max3A_80 = vector.broadcast %max3A : f32 to vector<64x1xf32>
      %max3A_81 = arith.maximumf %get3A_79, %max3A_80 : vector<64x1xf32>
      %div3A = vector.broadcast %max3A_81 : vector<64x1xf32> to vector<64x256xf32>
      %div3A_82 = arith.divf %get3A_76, %div3A : vector<64x256xf32>
      %get3A_83 = arith.constant 0 : index
      %get3A_84 = arith.constant 0 : index
      %get3A_85 = vector.load %arg8[%get3A_83, %get3A_84] : memref<256x64xf32, #tpu.memory_space<vmem>>, vector<256x64xf32>
      %dot_general3A_86 = arith.constant dense<0.000000e+00> : vector<64x64xf32>
      %dot_general3A_87 = tpu.matmul %div3A_82, %get3A_85, %dot_general3A_86 {dimension_numbers = #tpu.dot_dimension_numbers<[1], [0], [0], [1], [0, 0, 1, 1], [], []>, precision = #tpu.contract_precision<fp32>, transpose_lhs_hint = false} : vector<64x256xf32>, vector<256x64xf32>, vector<64x64xf32> -> vector<64x64xf32>
      %get3A_88 = arith.constant 0 : index
      %get3A_89 = arith.constant 0 : index
      %get3A_90 = vector.load %arg9[%get3A_88, %get3A_89] : memref<1x64xf32, #tpu.memory_space<vmem>>, vector<1x64xf32>
      %add3A_91 = vector.broadcast %get3A_90 : vector<1x64xf32> to vector<64x64xf32>
      %add3A_92 = arith.addf %dot_general3A_87, %add3A_91 : vector<64x64xf32>
      %get3A_93 = arith.constant 0 : index
      %get3A_94 = arith.constant 0 : index
      %get3A_95 = vector.load %arg10[%get3A_93, %get3A_94] : memref<64x1xf32, #tpu.memory_space<vmem>>, vector<64x1xf32>
      %dot_general3A_96 = arith.constant dense<0.000000e+00> : vector<64x1xf32>
      %dot_general3A_97 = tpu.matmul %add3A_92, %get3A_95, %dot_general3A_96 {dimension_numbers = #tpu.dot_dimension_numbers<[1], [0], [0], [1], [0, 0, 1, 1], [], []>, precision = #tpu.contract_precision<fp32>, transpose_lhs_hint = false} : vector<64x64xf32>, vector<64x1xf32>, vector<64x1xf32> -> vector<64x1xf32>
      %get3A_98 = arith.constant 0 : index
      %get3A_99 = arith.constant 0 : index
      %get3A_100 = vector.load %arg11[%get3A_98, %get3A_99] : memref<1x1xf32, #tpu.memory_space<vmem>>, vector<1x1xf32>
      %add3A_101 = vector.broadcast %get3A_100 : vector<1x1xf32> to vector<64x1xf32>
      %add3A_102 = arith.addf %dot_general3A_97, %add3A_101 : vector<64x1xf32>
      %logistic3A = arith.negf %add3A_102 : vector<64x1xf32>
      %logistic3A_103 = math.exp %logistic3A : vector<64x1xf32>
      %logistic3A_104 = arith.constant 1.000000e+00 : f32
      %logistic3A_105 = vector.broadcast %logistic3A_104 : f32 to vector<64x1xf32>
      %logistic3A_106 = arith.addf %logistic3A_105, %logistic3A_103 : vector<64x1xf32>
      %logistic3A_107 = arith.divf %logistic3A_105, %logistic3A_106 : vector<64x1xf32>
      %swap3A_108 = arith.constant 0 : index
      %swap3A_109 = arith.constant 0 : index
      %swap3A_110 = vector.load %arg12[%swap3A_108, %swap3A_109] : memref<64x1xf32, #tpu.memory_space<vmem>>, vector<64x1xf32>
      tpu.vector_store %arg12[%swap3A_108, %swap3A_109], %logistic3A_107 {strides = array<i32>} : memref<64x1xf32, #tpu.memory_space<vmem>>, vector<64x1xf32>,
    } else {
    }
    return
  }
  func.func @transform_0(%arg0: i32) -> (i32, i32, i32) {
    %c0_i32 = arith.constant 0 : i32
    %c0_i32_0 = arith.constant 0 : i32
    %c0_i32_1 = arith.constant 0 : i32
    return %c0_i32, %arg0, %c0_i32_0 : i32, i32, i32
  }
  func.func @transform_1(%arg0: i32) -> (i32, i32, i32) {
    %c0_i32 = arith.constant 0 : i32
    %c0_i32_0 = arith.constant 0 : i32
    %c0_i32_1 = arith.constant 0 : i32
    return %c0_i32, %arg0, %c0_i32_0 : i32, i32, i32
  }
  func.func @transform_2(%arg0: i32) -> (i32, i32) {
    %c0_i32 = arith.constant 0 : i32
    %c0_i32_0 = arith.constant 0 : i32
    return %arg0, %c0_i32 : i32, i32
  }
  func.func @transform_3(%arg0: i32) -> (i32, i32) {
    %c0_i32 = arith.constant 0 : i32
    %c0_i32_0 = arith.constant 0 : i32
    return %arg0, %c0_i32 : i32, i32
  }
  func.func @transform_4(%arg0: i32) -> (i32, i32) {
    %c0_i32 = arith.constant 0 : i32
    %c0_i32_0 = arith.constant 0 : i32
    %c0_i32_1 = arith.constant 0 : i32
    return %c0_i32, %c0_i32_0 : i32, i32
  }
  func.func @transform_5(%arg0: i32) -> (i32, i32) {
    %c0_i32 = arith.constant 0 : i32
    %c0_i32_0 = arith.constant 0 : i32
    %c0_i32_1 = arith.constant 0 : i32
    return %c0_i32, %c0_i32_0 : i32, i32
  }
  func.func @transform_6(%arg0: i32) -> (i32, i32) {
    %c0_i32 = arith.constant 0 : i32
    %c0_i32_0 = arith.constant 0 : i32
    %c0_i32_1 = arith.constant 0 : i32
    return %c0_i32, %c0_i32_0 : i32, i32
  }
  func.func @transform_7(%arg0: i32) -> (i32, i32) {
    %c0_i32 = arith.constant 0 : i32
    %c0_i32_0 = arith.constant 0 : i32
    %c0_i32_1 = arith.constant 0 : i32
    return %c0_i32, %c0_i32_0 : i32, i32
  }
  func.func @transform_8(%arg0: i32) -> (i32, i32) {
    %c0_i32 = arith.constant 0 : i32
    %c0_i32_0 = arith.constant 0 : i32
    %c0_i32_1 = arith.constant 0 : i32
    return %c0_i32, %c0_i32_0 : i32, i32
  }
  func.func @transform_9(%arg0: i32) -> (i32, i32) {
    %c0_i32 = arith.constant 0 : i32
    %c0_i32_0 = arith.constant 0 : i32
    %c0_i32_1 = arith.constant 0 : i32
    return %c0_i32, %c0_i32_0 : i32, i32
  }
  func.func @transform_10(%arg0: i32) -> (i32, i32) {
    %c0_i32 = arith.constant 0 : i32
    %c0_i32_0 = arith.constant 0 : i32
    %c0_i32_1 = arith.constant 0 : i32
    return %c0_i32, %c0_i32_0 : i32, i32
  }
  func.func @transform_11(%arg0: i32) -> (i32, i32) {
    %c0_i32 = arith.constant 0 : i32
    %c0_i32_0 = arith.constant 0 : i32
    %c0_i32_1 = arith.constant 0 : i32
    return %c0_i32, %c0_i32_0 : i32, i32
  }
}

</mosaic_0001>

<sc_bundles>
// kernel: kernel.10.cloned.1.call-start
scs
__scs_entry_jumppad:
0x0: {  	(pc) =	sbr.rel $0x88, $3  }
0x1: {  	(tag) =	ssettag $0x0;
	lr =	simm.s32 $0x1  }
0x2: {  	[smem:$0x3F94] =	sst lr;
	_ =	strace $0xD0000000  }
0x3: {  	_ = 	snop  }
0x4: {  	_ = 	snop  }
0x5: {  	_ = 	snop  }
0x6: {  	_ = 	snop  }
0x7: {  	_ = 	snop  }
__scs_overlays_trampoline_lowered:
0x8: {  	[smem:$0x3FA3] =	sst s0  }
0x9: {  	[smem:$0x3FA4] =	sst s1  }
0xa: {  	[smem:$0x3FA5] =	sst s2  }
0xb: {  	[smem:$0x3FA6] =	sst s3  }
0xc: {  	[smem:$0x3FA7] =	sst s4  }
0xd: {  	[smem:$0x3FA8] =	sst s5  }
0xe: {  	[smem:$0x3FA9] =	sst s6  }
0xf: {  	[smem:$0x3FAA] =	sst s7  }
0x10: {  	[smem:$0x3FAB] =	sst s8  }
0x11: {  	[smem:$0x3FAC] =	sst s9;
	s0 =	simm.s32 @!p0 $0x0  }
0x12: {  	s1 =	sld [smem:$0x3F92];
	s0 =	simm.s32 @p0 $0x1  }
0x13: {  	[smem:$0x3FAD] =	sst s0;
	s0 =	simm.s32 @!p1 $0x0  }
0x14: {  	s2 =	sld [smem:$0x3F91];
	s0 =	simm.s32 @p1 $0x1  }
0x15: {  	[smem:$0x3FAE] =	sst s0;
	s0 =	simm.s32 @!p2 $0x0  }
0x16: {  	s3 =	sld [smem:$0x3FDB];
	s0 =	simm.s32 @p2 $0x1  }
0x17: {  	s4 =	simm.s32 $0x1BF5;
	[smem:$0x3FB0] =	sst s0  }
0x18: {  	s0 =	sld [smem:$0x3F93];
	_ =	swait.ge [sflag:s4], $0x0  }
0x19: {  	s7 =	sld [smem:$0x3F94]  }
0x1a: {  	s8 =	sadd.s32 $0xFFFFE003, lr  }
0x1b: {  	s9 =	sadd.s32 $0xFFFFFEF7, lr;
	s5 =	simm.s32 $0xFFFFFFFF;
	p2 =	slt.u32 s8, $0xFFFFF086  }
0x1c: {  	p1 =	slt.u32 s9, $0xF7A;
	s5 =	simm.s32 @!p2 $0x0  }
0x1d: {  	s5 =	simm.s32 @p1 $0x1;
	p0 =	seq.s32 s7, s2  }
0x1e: {  	s7 =	smul.u32 @!p0 $0xF7A, s2;
	p2 =	seq.s32 @!p0 s5, $0x0  }
0x1f: {  	s9 =	smul.u32 $0xF7A, s1;
	s8 =	simm.s32 @!p0 $0x1BF5;
	p2 =	por !p2, p0  }
0x20: {  	[sflag:s8] =	ssyncset.s32 @!p0 $0xFFFFF086;
	s6 =	sadd.s32 @!p0 s3, s7;
	s7 =	simm.s32 @!p0 $0x108  }
0x21: {  	s3 =	sadd.s32 s3, s9;
	s6 =	sadd.s32 @!p0 $0x88, s6;
	s7 =	simm.s32 @p2 $0x1082  }
0x22: {  	[simem:s7], [sflag:s8] =	dma.local @!p0 [hbm:s6], $0xF7A  }
0x23: {  	s9 =	sor.u32 $0xD0000000, s2;
	s6 =	simm.s32 $0x108;
	_ =	swait.ge @!p0 [sflag:s8], $0x0  }
0x24: {  	s3 =	sadd.s32 $0x88, s3;
	s6 =	simm.s32 @!p1 $0x1082;
	[sflag:s4] =	ssyncset.s32 $0xFFFFF086  }
0x25: {  	[simem:s6], [sflag:s4] =	dma.local [hbm:s3], $0xF7A  }
0x26: {  	[smem:$0x3F94] =	sst s1;
	(tag) =	ssettag s2;
	_ =	strace s9  }
0x27: {  	s1 =	sld [smem:$0x3FA4]  }
0x28: {  	s2 =	sld [smem:$0x3FA5]  }
0x29: {  	s4 =	sld [smem:$0x3FA7]  }
0x2a: {  	p0 =	seq.s32 s5, $0x0;
	s5 =	sld [smem:$0x3FA8]  }
0x2b: {  	s6 =	sld [smem:$0x3FA9]  }
0x2c: {  	s7 =	sld [smem:$0x3FAA]  }
0x2d: {  	s3 =	simm.s32 $0x108;
	s8 =	sld [smem:$0x3FAB]  }
0x2e: {  	s3 =	simm.s32 @!p0 $0x1082;
	s9 =	sld [smem:$0x3FAC]  }
0x2f: {  	lr =	sadd.s32 s0, s3;
	s0 =	sld [smem:$0x3FA3]  }
0x30: {  	s3 =	sld [smem:$0x3FA6]  }
0x31: {  	[smem:$0x3FAF] =	sst s10  }
0x32: {  	s10 =	sld [smem:$0x3FAD];
	_ =	sdelay $0x3  }
0x33: {  	p0 =	seq.s32 s10, $0x1;
	s10 =	sld [smem:$0x3FAF];
	_ =	sdelay $0x3  }
0x34: {  	[smem:$0x3FAF] =	sst s10  }
0x35: {  	s10 =	sld [smem:$0x3FAE];
	_ =	sdelay $0x3  }
0x36: {  	p1 =	seq.s32 s10, $0x1;
	s10 =	sld [smem:$0x3FAF];
	_ =	sdelay $0x3  }
0x37: {  	[smem:$0x3FAF] =	sst s10  }
0x38: {  	s10 =	sld [smem:$0x3FB0]  }
0x39: {  	_ = 	snop;
	(pc) =	sbr.ind lr, $3  }
0x3a: {  	_ = 	snop  }
0x3b: {  	_ = 	snop  }
0x3c: {  	p2 =	seq.s32 s10, $0x1;
	s10 =	sld [smem:$0x3FAF]  }
0x3d: {  	_ =	shalt  }
0x3e: {  	_ =	shalt  }
0x3f: {  	_ =	shalt  }
0x40: {  	_ =	shalt  }
0x41: {  	_ =	shalt  }
0x42: {  	_ =	shalt  }
0x43: {  	_ =	shalt  }
0x44: {  	_ =	shalt  }
0x45: {  	_ =	shalt  }
0x46: {  	_ =	shalt  }
0x47: {  	_ =	shalt  }
0x48: {  	_ =	shalt  }
0x49: {  	_ =	shalt  }
0x4a: {  	_ =	shalt  }
0x4b: {  	_ =	shalt  }
0x4c: {  	_ =	shalt  }
0x4d: {  	_ =	shalt  }
0x4e: {  	_ =	shalt  }
0x4f: {  	_ =	shalt  }
0x50: {  	_ =	shalt  }
0x51: {  	_ =	shalt  }
0x52: {  	_ =	shalt  }
0x53: {  	_ =	shalt  }
0x54: {  	_ =	shalt  }
0x55: {  	_ =	shalt  }
0x56: {  	_ =	shalt  }
0x57: {  	_ =	shalt  }
0x58: {  	_ =	shalt  }
0x59: {  	_ =	shalt  }
0x5a: {  	_ =	shalt  }
0x5b: {  	_ =	shalt  }
0x5c: {  	_ =	shalt  }
0x5d: {  	_ =	shalt  }
0x5e: {  	_ =	shalt  }
0x5f: {  	_ =	shalt  }
0x60: {  	_ =	shalt  }
0x61: {  	_ =	shalt  }
0x62: {  	_ =	shalt  }
0x63: {  	_ =	shalt  }
0x64: {  	_ =	shalt  }
0x65: {  	_ =	shalt  }
0x66: {  	_ =	shalt  }
0x67: {  	_ =	shalt  }
0x68: {  	_ =	shalt  }
0x69: {  	_ =	shalt  }
0x6a: {  	_ =	shalt  }
0x6b: {  	_ =	shalt  }
0x6c: {  	_ =	shalt  }
0x6d: {  	_ =	shalt  }
0x6e: {  	_ =	shalt  }
0x6f: {  	_ =	shalt  }
0x70: {  	_ =	shalt  }
0x71: {  	_ =	shalt  }
0x72: {  	_ =	shalt  }
0x73: {  	_ =	shalt  }
0x74: {  	_ =	shalt  }
0x75: {  	_ =	shalt  }
0x76: {  	_ =	shalt  }
0x77: {  	_ =	shalt  }
0x78: {  	_ =	shalt  }
0x79: {  	_ =	shalt  }
0x7a: {  	_ =	shalt  }
0x7b: {  	_ =	shalt  }
0x7c: {  	_ =	shalt  }
0x7d: {  	_ =	shalt  }
0x7e: {  	_ =	shalt  }
0x7f: {  	_ =	shalt  }
0x80: {  	_ =	shalt  }
0x81: {  	_ =	shalt  }
0x82: {  	_ =	shalt  }
0x83: {  	_ =	shalt  }
0x84: {  	_ =	shalt  }
0x85: {  	_ =	shalt  }
0x86: {  	_ =	shalt  }
0x87: {  	_ =	shalt  }
.Lfunc_end0:
.L_simem_size_0:
called_computation_lowered:
.L_overlay_start_0:
0x88: {  	s2 =	sld [smem:$0x3FD9]  }
0x89: {  	s3 =	sld [smem:$0x3FFE];
	_ =	sdelay $0x1  }
0x8a: {  	s1 =	srdreg.scid  }
0x8b: {  	s0 =	sand.u32 $0x1, s1  }
0x8c: {  	s16 =	sshll.u32 s0, $0xA;
	s2 =	sadd.s32 s3, s2  }
0x8d: {  	s2 =	sadd.s32 s2, s16  }
0x8e: {  	[smem:$0x3FBB] =	sst s2  }
0x8f: {  	_ = 	snop  }
0x90: {  	(tm) =	ssettm $0x1  }
0x91: {  	s17 =	sld [smem:$0x3FFB];
	_ =	sdelay $0x3  }
0x92: {  	_ =	strace s17  }
0x93: {  	s2 =	sld [smem:$0x3FFC];
	_ =	sdelay $0x3  }
0x94: {  	_ =	strace s2  }
0x95: {  	s2 =	sld [smem:$0x3FFD];
	_ =	sdelay $0x3  }
0x96: {  	_ =	strace s2  }
0x97: {  	_ =	strace $0x8FFFFFFF  }
0x98: {  	s18 =	sld [smem:$0x3FDB];
	_ =	sdelay $0x1  }
0x99: {  	s19 =	simm.s32 $_scs_section_size  }
0x9a: {  	s4 =	simm.s32 $_size__tile_overlayer_lowered;
	s5 =	simm.s32 $_tile_overlayer_lowered  }
0x9b: {  	s22 =	simm.s32 $0x1BFF;
	s21 =	sshll.u32 s5, $0x1;
	s2 =	sadd.s32 s19, s18  }
0x9c: {  	s6 =	simm.s32 $0x0;
	s20 =	sshll.u32 s4, $0x1;
	s4 =	sadd.s32 s21, s2  }
0x9d: {  	[timem:s6], [sflag:s22] =	dma.local [hbm:s4], s20  }
0x9e: {  	_ =	swait.ge [sflag:s22], s20  }
0x9f: {  	s3 =	ssub.s32 $0x0, s20;
	[sflag:s22] =	ssyncset.done $0x0  }
0xa0: {  	[sflag:s22] =	ssyncadd.s32 s3;
	_ =	sdelay $0x1  }
0xa1: {  	s23 =	simm.s32 $0x1B8B  }
0xa2: {  	_ =	swait.ge [sflag:s23], $0x1  }
0xa3: {  	[sflag:s23] =	ssyncset.done $0x0  }
0xa4: {  	s25 =	simm.s32 $0x1B8E;
	s24 =	sld [smem:$0x3FFE];
	[sflag:s23] =	ssyncadd.s32 $0xFFFFFFFF  }
0xa5: {  	s26 =	simm.s32 $execute0_lowered;
	[smem:$0x3FD2] =	sst s25  }
0xa6: {  	s4 =	sshll.u32 s26, $0x1;
	_ =	strace $0x80000046;
	[dreg:$0x1] =	wrdreg $0xFFFFFFFF  }
0xa7: {  	s28 =	simm.s32 $_size_execute0_lowered;
	s2 =	sadd.s32 s2, s4;
	[dreg:$0x0] =	wrdreg $0x0  }
0xa8: {  	s4 =	sshll.u32 s28, $0x1;
	[dreg:$0x2] =	wrdreg s2  }
0xa9: {  	[dreg:$0x3] =	wrdreg s4  }
0xaa: {  	[dreg:$0x4] =	wrdreg $0xC0  }
0xab: {  	_ =	task [dreg:s6], $0x5FFFF  }
0xac: {  	[dreg:$0x1] =	wrdreg $0xFFFFFFFF  }
0xad: {  	[dreg:$0x0] =	wrdreg $0x60  }
0xae: {  	[dreg:$0x2] =	wrdreg s24  }
0xaf: {  	[dreg:$0x3] =	wrdreg $0x68000  }
0xb0: {  	[dreg:$0x4] =	wrdreg $0x9  }
0xb1: {  	_ =	task.clear_ibuf [dreg:s6], $0x5FFFF;
	_ =	strace $0x90000046  }
0xb2: {  	s29 =	simm.s32 $0x9;
	_ =	strace $0x80000048  }
0xb3: {  	_ =	swait.ge [sflag:s29], $0x1  }
0xb4: {  	[sflag:s29] =	ssyncadd.s32 $0xFFFFFFFF  }
0xb5: {  	_ =	strace $0x90000048  }
0xb6: {  	_ =	sfence  }
0xb7: {  	s30 =	sld [smem:$0x0];
	_ =	sdelay $0x2  }
0xb8: {  	s31 =	sshll.u32 s1, $0xD;
	s1 =	sshrl.u32 s1, $0x2  }
0xb9: {  	s3 =	sand.u32 $0x4000, s31;
	s1 =	sadd.s32 s1, s30  }
0xba: {  	s0 =	sor.u32 s3, s0;
	s1 =	sshll.u32 s1, $0x11  }
0xbb: {  	s0 =	sor.u32 s1, s0  }
0xbc: {  	s0 =	sadd.s32 $0x8F2B, s0  }
0xbd: {  	[sflag:s0] =	ssyncadd.remote.s32 $0x1  }
0xbe: {  	_ =	sfence.sel $0xFFFF  }
0xbf: {  	[dreg:$0x0] =	wrdreg $0xFFFFFFFF;
	(pc) =	sbr.abs _section_cstart, $3  }
0xc0: {  	[dreg:$0x1] =	wrdreg $0xFFFFFFFF  }
0xc1: {  	_ =	task.clear_ibuf [dreg:s6], $0x2FFFF;
	_ =	strace $0x9FFFFFFF  }
0xc2: {  	(tm) =	ssettm $0x7FFFFFFF  }
0xc3: {  	_ =	shalt  }
tec
execute0_lowered:
.L_overlay_start_1:
0x0: {  	(tag) =	ssettag $0x1  }
0x1: {  	s5 =	rddreg [dreg:$0x0]  }
0x2: {  	s2 =	rddreg [dreg:$0x1]  }
0x3: {  	s0 =	rddreg [dreg:$0x2]  }
0x4: {  	s1 =	stileid.u32;
	s4 =	srdreg.scid  }
0x5: {  	s3 =	simm.s32 $0x0;
	s14 =	simm.s32 $0x0;
	s6 =	smul.u32 $0x14000, s1  }
0x6: {  	s7 =	sand.u32 $0x1, s4;
	[smem:$0x7FF] =	sst s3;
	s24 =	sshll.u32 s1, $0xB  }
0x7: {  	s4 =	sadd.s32 $0x3B800, s5;
	s25 =	smul.u32 $0x50000, s1;
	s30 =	sshll.u32 s1, $0x6  }
0x8: {  	s8 =	smul.u32 $0x140000, s7;
	_ =	strace $0x80000047;
	s9 =	sadd.s32 s24, s5  }
0x9: {  	s11 =	ssub.s32 $0x2, s7;
	s29 =	sshll.u32 s7, $0xF;
	s10 =	sshrl.u32 s6, $0x3  }
0xa: {  	s26 =	sshrl.u32 s11, $0x1;
	s28 =	sshrl.u32 s25, $0x2;
	s31 =	sadd.s32 s29, s9  }
0xb: {  	s6 =	sadd.s32 s6, s8;
	s10 =	sadd.s32 s10, s5;
	s11 =	ssub.s32 s11, s26  }
0xc: {  	s13 =	sadd.s32 s28, s2;
	s7 =	sadd.s32 $0x3800, s31;
	s6 =	sshrl.u32 s6, $0x3  }
0xd: {  	s9 =	smax.u32 s11, $0x1;
	s11 =	simm.s32 $0x1;
	s12 =	sadd.s32 s6, s5  }
0xe: {  	s5 =	sadd.s32 $0x13800, s10;
	s6 =	sor.u32 $0x1C01, s30;
	s10 =	sshrl.u32 s13, $0x3  }
0xf: {  	s13 =	simm.s32 $0x50;
	s8 =	sadd.s32 $0x3BE00, s12;
	s12 =	simm.s32 $0x4000  }
.LBB2_1:
0x10: {  	[spmem:s10], [sflag:s6] =	dma.local [hbm:s5], $0x2800  }
0x11: {  	_ =	swait.ge [sflag:s11], $0x2800  }
0x12: {  	[sflag:s11] =	ssyncset.done $0x0  }
0x13: {  	[sflag:s11] =	ssyncadd.s32 $0xFFFFD800  }
0x14: {  	[tilespmem:s3], [sflag:$0x1] =	stream.linear.gather [hbm4b:s7+s3], $0x3E80, $0x38;
	[tilespmem:$0x1A800] =	vst v63  }
0x15: {  	_ =	swait.ge [sflag:s11], $0x3E80  }
0x16: {  	[sflag:s11] =	ssyncset.done $0x0  }
0x17: {  	[sflag:s11] =	ssyncadd.s32 $0xFFFFC180  }
0x18: {  	[tilespmem:s12], [sflag:$0x1] =	stream.linear.gather [hbm4b:s4+s3], $0x2800, $0x38;
	[tilespmem:$0x1A800] =	vst v63  }
0x19: {  	_ =	swait.ge [sflag:s11], $0x2800  }
0x1a: {  	[sflag:s11] =	ssyncset.done $0x0  }
0x1b: {  	[sflag:s11] =	ssyncadd.s32 $0xFFFFD800  }
0x1c: {  	s15 =	simm.s32 $0x0;
	[bflag:$0x0] =	sbarrier.arrive $0xFFFF  }
0x1d: {  	[spmem:s2] =	stream.indirect.scatter.add.f32 [tilespmem:s12], [sflag:$0x1], $0x80, s15, s13, $0xb8;
	[tilespmem:$0x1A800] =	vst v63  }
0x1e: {  	_ =	swait.ge [sflag:s11], $0x2800  }
0x1f: {  	s15 =	simm.s32 $0x200;
	[sflag:s11] =	ssyncset.done $0x0  }
.LBB2_2:
0x20: {  	s16 =	sshra.s32 s15, $0x2;
	[sflag:s11] =	ssyncadd.s32 $0xFFFFD800;
	p0 =	sne.s32 s15, $0xF800  }
0x21: {  	[spmem:s2] =	stream.indirect.scatter.add.f32 [tilespmem:s12], [sflag:$0x1], $0x80, s16, s13, $0xb8;
	[tilespmem:$0x1A800] =	vst v63  }
.Ltmp0:
0x22: {  	_ = 	snop;
	(pc) =	sbr.rel @p0 .LBB2_2-.Ltmp0, $4  }
0x23: {  	_ = 	snop  }
0x24: {  	s15 =	sadd.s32 $0x200, s15  }
0x25: {  	_ =	swait.ge [sflag:s11], $0x2800  }
0x26: {  	[sflag:s11] =	ssyncset.done $0x0  }
0x27: {  	s14 =	sadd.s32 $0x1, s14  }
0x28: {  	[sflag:s11] =	ssyncadd.s32 $0xFFFFD800;
	p0 =	sne.s32 s14, s9  }
.Ltmp1:
0x29: {  	[bflag:$0x0] =	sbarrier.arrive $0xFFFF;
	(pc) =	sbr.rel @p0 .LBB2_1-.Ltmp1, $4  }
0x2a: {  	[hbm:s8], [sflag:s6] =	dma.local [spmem:s10], $0x2800  }
0x2b: {  	_ =	swait.ge [sflag:s11], $0x2800  }
0x2c: {  	[sflag:s11] =	ssyncset.done $0x0  }
0x2d: {  	[sflag:s11] =	ssyncadd.s32 $0xFFFFD800  }
0x2e: {  	_ =	sfence.sel $0x180000  }
0x2f: {  	[bflag:$0x0] =	sbarrier.arrive $0xFFFF  }
0x30: {  	p0 =	sne.s32 s1, $0x0;
	_ =	strace $0x90000047  }
0x31: {  	s0 =	sadd.s32 @!p0 $0x100000, s0;
	[bflag:$0x2] =	sbarrier.arrive $0xFFFF  }
0x32: {  	[sflag:s0] =	ssyncadd.tile.s32 @!p0 $0x1;
	_ =	shalt  }
.Lfunc_end2:
_tile_overlayer_lowered:
.L_overlay_start_2:
0x33: {  	(tag) =	ssettag $0x2  }
0x34: {  	s0 =	rddreg [dreg:$0x0];
	s2 =	stileid.u32  }
0x35: {  	s1 =	rddreg [dreg:$0x1];
	p0 =	sne.s32 s2, $0x0  }
0x36: {  	s3 =	rddreg [dreg:$0x2];
	[bflag:$0x3] =	sbarrier.arrive $0xFFFF;
	s2 =	simm.s32 @!p0 $0x1C01  }
0x37: {  	[timem:s3], [sflag:s2] =	dma.local @!p0 [hbm:s0], s1  }
0x38: {  	s0 =	simm.s32 @!p0 $0x1  }
0x39: {  	_ =	swait.ge @!p0 [sflag:s0], s1  }
0x3a: {  	s1 =	ssub.s32 @!p0 $0x0, s1;
	[sflag:s0] =	ssyncset.done @!p0 $0x0  }
0x3b: {  	[sflag:s0] =	ssyncadd.s32 @!p0 s1  }
0x3c: {  	[bflag:$0x3] =	sbarrier.arrive $0xFFFF  }
0x3d: {  	_ =	shalt  }

// kernel: kernel.13.cloned.1.call-start
scs
__scs_entry_jumppad:
0x0: {  	(pc) =	sbr.rel $0x88, $3  }
0x1: {  	(tag) =	ssettag $0x0;
	lr =	simm.s32 $0x1  }
0x2: {  	[smem:$0x3F94] =	sst lr;
	_ =	strace $0xD0000000  }
0x3: {  	_ = 	snop  }
0x4: {  	_ = 	snop  }
0x5: {  	_ = 	snop  }
0x6: {  	_ = 	snop  }
0x7: {  	_ = 	snop  }
__scs_overlays_trampoline_lowered:
0x8: {  	[smem:$0x3FA3] =	sst s0  }
0x9: {  	[smem:$0x3FA4] =	sst s1  }
0xa: {  	[smem:$0x3FA5] =	sst s2  }
0xb: {  	[smem:$0x3FA6] =	sst s3  }
0xc: {  	[smem:$0x3FA7] =	sst s4  }
0xd: {  	[smem:$0x3FA8] =	sst s5  }
0xe: {  	[smem:$0x3FA9] =	sst s6  }
0xf: {  	[smem:$0x3FAA] =	sst s7  }
0x10: {  	[smem:$0x3FAB] =	sst s8  }
0x11: {  	[smem:$0x3FAC] =	sst s9;
	s0 =	simm.s32 @!p0 $0x0  }
0x12: {  	s1 =	sld [smem:$0x3F92];
	s0 =	simm.s32 @p0 $0x1  }
0x13: {  	[smem:$0x3FAD] =	sst s0;
	s0 =	simm.s32 @!p1 $0x0  }
0x14: {  	s2 =	sld [smem:$0x3F91];
	s0 =	simm.s32 @p1 $0x1  }
0x15: {  	[smem:$0x3FAE] =	sst s0;
	s0 =	simm.s32 @!p2 $0x0  }
0x16: {  	s3 =	sld [smem:$0x3FDB];
	s0 =	simm.s32 @p2 $0x1  }
0x17: {  	s4 =	simm.s32 $0x1BF5;
	[smem:$0x3FB0] =	sst s0  }
0x18: {  	s0 =	sld [smem:$0x3F93];
	_ =	swait.ge [sflag:s4], $0x0  }
0x19: {  	s7 =	sld [smem:$0x3F94]  }
0x1a: {  	s8 =	sadd.s32 $0xFFFFE003, lr  }
0x1b: {  	s9 =	sadd.s32 $0xFFFFFEF7, lr;
	s5 =	simm.s32 $0xFFFFFFFF;
	p2 =	slt.u32 s8, $0xFFFFF086  }
0x1c: {  	p1 =	slt.u32 s9, $0xF7A;
	s5 =	simm.s32 @!p2 $0x0  }
0x1d: {  	s5 =	simm.s32 @p1 $0x1;
	p0 =	seq.s32 s7, s2  }
0x1e: {  	s7 =	smul.u32 @!p0 $0xF7A, s2;
	p2 =	seq.s32 @!p0 s5, $0x0  }
0x1f: {  	s9 =	smul.u32 $0xF7A, s1;
	s8 =	simm.s32 @!p0 $0x1BF5;
	p2 =	por !p2, p0  }
0x20: {  	[sflag:s8] =	ssyncset.s32 @!p0 $0xFFFFF086;
	s6 =	sadd.s32 @!p0 s3, s7;
	s7 =	simm.s32 @!p0 $0x108  }
0x21: {  	s3 =	sadd.s32 s3, s9;
	s6 =	sadd.s32 @!p0 $0x88, s6;
	s7 =	simm.s32 @p2 $0x1082  }
0x22: {  	[simem:s7], [sflag:s8] =	dma.local @!p0 [hbm:s6], $0xF7A  }
0x23: {  	s9 =	sor.u32 $0xD0000000, s2;
	s6 =	simm.s32 $0x108;
	_ =	swait.ge @!p0 [sflag:s8], $0x0  }
0x24: {  	s3 =	sadd.s32 $0x88, s3;
	s6 =	simm.s32 @!p1 $0x1082;
	[sflag:s4] =	ssyncset.s32 $0xFFFFF086  }
0x25: {  	[simem:s6], [sflag:s4] =	dma.local [hbm:s3], $0xF7A  }
0x26: {  	[smem:$0x3F94] =	sst s1;
	(tag) =	ssettag s2;
	_ =	strace s9  }
0x27: {  	s1 =	sld [smem:$0x3FA4]  }
0x28: {  	s2 =	sld [smem:$0x3FA5]  }
0x29: {  	s4 =	sld [smem:$0x3FA7]  }
0x2a: {  	p0 =	seq.s32 s5, $0x0;
	s5 =	sld [smem:$0x3FA8]  }
0x2b: {  	s6 =	sld [smem:$0x3FA9]  }
0x2c: {  	s7 =	sld [smem:$0x3FAA]  }
0x2d: {  	s3 =	simm.s32 $0x108;
	s8 =	sld [smem:$0x3FAB]  }
0x2e: {  	s3 =	simm.s32 @!p0 $0x1082;
	s9 =	sld [smem:$0x3FAC]  }
0x2f: {  	lr =	sadd.s32 s0, s3;
	s0 =	sld [smem:$0x3FA3]  }
0x30: {  	s3 =	sld [smem:$0x3FA6]  }
0x31: {  	[smem:$0x3FAF] =	sst s10  }
0x32: {  	s10 =	sld [smem:$0x3FAD];
	_ =	sdelay $0x3  }
0x33: {  	p0 =	seq.s32 s10, $0x1;
	s10 =	sld [smem:$0x3FAF];
	_ =	sdelay $0x3  }
0x34: {  	[smem:$0x3FAF] =	sst s10  }
0x35: {  	s10 =	sld [smem:$0x3FAE];
	_ =	sdelay $0x3  }
0x36: {  	p1 =	seq.s32 s10, $0x1;
	s10 =	sld [smem:$0x3FAF];
	_ =	sdelay $0x3  }
0x37: {  	[smem:$0x3FAF] =	sst s10  }
0x38: {  	s10 =	sld [smem:$0x3FB0]  }
0x39: {  	_ = 	snop;
	(pc) =	sbr.ind lr, $3  }
0x3a: {  	_ = 	snop  }
0x3b: {  	_ = 	snop  }
0x3c: {  	p2 =	seq.s32 s10, $0x1;
	s10 =	sld [smem:$0x3FAF]  }
0x3d: {  	_ =	shalt  }
0x3e: {  	_ =	shalt  }
0x3f: {  	_ =	shalt  }
0x40: {  	_ =	shalt  }
0x41: {  	_ =	shalt  }
0x42: {  	_ =	shalt  }
0x43: {  	_ =	shalt  }
0x44: {  	_ =	shalt  }
0x45: {  	_ =	shalt  }
0x46: {  	_ =	shalt  }
0x47: {  	_ =	shalt  }
0x48: {  	_ =	shalt  }
0x49: {  	_ =	shalt  }
0x4a: {  	_ =	shalt  }
0x4b: {  	_ =	shalt  }
0x4c: {  	_ =	shalt  }
0x4d: {  	_ =	shalt  }
0x4e: {  	_ =	shalt  }
0x4f: {  	_ =	shalt  }
0x50: {  	_ =	shalt  }
0x51: {  	_ =	shalt  }
0x52: {  	_ =	shalt  }
0x53: {  	_ =	shalt  }
0x54: {  	_ =	shalt  }
0x55: {  	_ =	shalt  }
0x56: {  	_ =	shalt  }
0x57: {  	_ =	shalt  }
0x58: {  	_ =	shalt  }
0x59: {  	_ =	shalt  }
0x5a: {  	_ =	shalt  }
0x5b: {  	_ =	shalt  }
0x5c: {  	_ =	shalt  }
0x5d: {  	_ =	shalt  }
0x5e: {  	_ =	shalt  }
0x5f: {  	_ =	shalt  }
0x60: {  	_ =	shalt  }
0x61: {  	_ =	shalt  }
0x62: {  	_ =	shalt  }
0x63: {  	_ =	shalt  }
0x64: {  	_ =	shalt  }
0x65: {  	_ =	shalt  }
0x66: {  	_ =	shalt  }
0x67: {  	_ =	shalt  }
0x68: {  	_ =	shalt  }
0x69: {  	_ =	shalt  }
0x6a: {  	_ =	shalt  }
0x6b: {  	_ =	shalt  }
0x6c: {  	_ =	shalt  }
0x6d: {  	_ =	shalt  }
0x6e: {  	_ =	shalt  }
0x6f: {  	_ =	shalt  }
0x70: {  	_ =	shalt  }
0x71: {  	_ =	shalt  }
0x72: {  	_ =	shalt  }
0x73: {  	_ =	shalt  }
0x74: {  	_ =	shalt  }
0x75: {  	_ =	shalt  }
0x76: {  	_ =	shalt  }
0x77: {  	_ =	shalt  }
0x78: {  	_ =	shalt  }
0x79: {  	_ =	shalt  }
0x7a: {  	_ =	shalt  }
0x7b: {  	_ =	shalt  }
0x7c: {  	_ =	shalt  }
0x7d: {  	_ =	shalt  }
0x7e: {  	_ =	shalt  }
0x7f: {  	_ =	shalt  }
0x80: {  	_ =	shalt  }
0x81: {  	_ =	shalt  }
0x82: {  	_ =	shalt  }
0x83: {  	_ =	shalt  }
0x84: {  	_ =	shalt  }
0x85: {  	_ =	shalt  }
0x86: {  	_ =	shalt  }
0x87: {  	_ =	shalt  }
.Lfunc_end0:
.L_simem_size_0:
called_computation.1_lowered:
.L_overlay_start_0:
0x88: {  	s2 =	sld [smem:$0x3FD9]  }
0x89: {  	s3 =	sld [smem:$0x3FFE];
	_ =	sdelay $0x1  }
0x8a: {  	s1 =	srdreg.scid  }
0x8b: {  	s0 =	sand.u32 $0x1, s1  }
0x8c: {  	s16 =	sshll.u32 s0, $0xA;
	s2 =	sadd.s32 s3, s2  }
0x8d: {  	s2 =	sadd.s32 s2, s16  }
0x8e: {  	[smem:$0x3FBB] =	sst s2  }
0x8f: {  	_ = 	snop  }
0x90: {  	(tm) =	ssettm $0x1  }
0x91: {  	s17 =	sld [smem:$0x3FFB];
	_ =	sdelay $0x3  }
0x92: {  	_ =	strace s17  }
0x93: {  	s2 =	sld [smem:$0x3FFC];
	_ =	sdelay $0x3  }
0x94: {  	_ =	strace s2  }
0x95: {  	s2 =	sld [smem:$0x3FFD];
	_ =	sdelay $0x3  }
0x96: {  	_ =	strace s2  }
0x97: {  	_ =	strace $0x8FFFFFFF  }
0x98: {  	s18 =	sld [smem:$0x3FDB];
	_ =	sdelay $0x1  }
0x99: {  	s19 =	simm.s32 $_scs_section_size  }
0x9a: {  	s4 =	simm.s32 $_size__tile_overlayer_lowered;
	s5 =	simm.s32 $_tile_overlayer_lowered  }
0x9b: {  	s22 =	simm.s32 $0x1BFF;
	s21 =	sshll.u32 s5, $0x1;
	s2 =	sadd.s32 s19, s18  }
0x9c: {  	s6 =	simm.s32 $0x0;
	s20 =	sshll.u32 s4, $0x1;
	s4 =	sadd.s32 s21, s2  }
0x9d: {  	[timem:s6], [sflag:s22] =	dma.local [hbm:s4], s20  }
0x9e: {  	_ =	swait.ge [sflag:s22], s20  }
0x9f: {  	s3 =	ssub.s32 $0x0, s20;
	[sflag:s22] =	ssyncset.done $0x0  }
0xa0: {  	[sflag:s22] =	ssyncadd.s32 s3;
	_ =	sdelay $0x1  }
0xa1: {  	s23 =	simm.s32 $0x1B8B  }
0xa2: {  	_ =	swait.ge [sflag:s23], $0x1  }
0xa3: {  	[sflag:s23] =	ssyncset.done $0x0  }
0xa4: {  	s25 =	simm.s32 $0x1B8E;
	s24 =	sld [smem:$0x3FFE];
	[sflag:s23] =	ssyncadd.s32 $0xFFFFFFFF  }
0xa5: {  	s26 =	simm.s32 $execute0_lowered;
	[smem:$0x3FD2] =	sst s25  }
0xa6: {  	s4 =	sshll.u32 s26, $0x1;
	_ =	strace $0x80000049;
	[dreg:$0x1] =	wrdreg $0xFFFFFFFF  }
0xa7: {  	s28 =	simm.s32 $_size_execute0_lowered;
	s2 =	sadd.s32 s2, s4;
	[dreg:$0x0] =	wrdreg $0x0  }
0xa8: {  	s4 =	sshll.u32 s28, $0x1;
	[dreg:$0x2] =	wrdreg s2  }
0xa9: {  	[dreg:$0x3] =	wrdreg s4  }
0xaa: {  	[dreg:$0x4] =	wrdreg $0xC0  }
0xab: {  	_ =	task [dreg:s6], $0x5FFFF  }
0xac: {  	[dreg:$0x1] =	wrdreg $0xFFFFFFFF  }
0xad: {  	[dreg:$0x0] =	wrdreg $0x60  }
0xae: {  	[dreg:$0x2] =	wrdreg s24  }
0xaf: {  	[dreg:$0x3] =	wrdreg $0x40000  }
0xb0: {  	[dreg:$0x4] =	wrdreg $0x9  }
0xb1: {  	_ =	task.clear_ibuf [dreg:s6], $0x5FFFF;
	_ =	strace $0x90000049  }
0xb2: {  	s29 =	simm.s32 $0x9;
	_ =	strace $0x8000004B  }
0xb3: {  	_ =	swait.ge [sflag:s29], $0x1  }
0xb4: {  	[sflag:s29] =	ssyncadd.s32 $0xFFFFFFFF  }
0xb5: {  	_ =	strace $0x9000004B  }
0xb6: {  	_ =	sfence  }
0xb7: {  	s30 =	sld [smem:$0x0];
	_ =	sdelay $0x2  }
0xb8: {  	s31 =	sshll.u32 s1, $0xD;
	s1 =	sshrl.u32 s1, $0x2  }
0xb9: {  	s3 =	sand.u32 $0x4000, s31;
	s1 =	sadd.s32 s1, s30  }
0xba: {  	s0 =	sor.u32 s3, s0;
	s1 =	sshll.u32 s1, $0x11  }
0xbb: {  	s0 =	sor.u32 s1, s0  }
0xbc: {  	s0 =	sadd.s32 $0x8F2B, s0  }
0xbd: {  	[sflag:s0] =	ssyncadd.remote.s32 $0x1  }
0xbe: {  	_ =	sfence.sel $0xFFFF  }
0xbf: {  	[dreg:$0x0] =	wrdreg $0xFFFFFFFF;
	(pc) =	sbr.abs _section_cstart, $3  }
0xc0: {  	[dreg:$0x1] =	wrdreg $0xFFFFFFFF  }
0xc1: {  	_ =	task.clear_ibuf [dreg:s6], $0x2FFFF;
	_ =	strace $0x9FFFFFFF  }
0xc2: {  	(tm) =	ssettm $0x7FFFFFFF  }
0xc3: {  	_ =	shalt  }
tec
execute0_lowered:
.L_overlay_start_1:
0x0: {  	(tag) =	ssettag $0x1  }
0x1: {  	s6 =	rddreg [dreg:$0x0]  }
0x2: {  	s1 =	rddreg [dreg:$0x1]  }
0x3: {  	s2 =	srdreg.scid;
	s0 =	rddreg [dreg:$0x2];
	s3 =	simm.s32 $0x0  }
0x4: {  	s16 =	simm.s32 $0x50;
	s7 =	sand.u32 $0x1, s2;
	s2 =	stileid.u32  }
0x5: {  	s17 =	simm.s32 $0x1800;
	[smem:$0x7FF] =	sst s3;
	s8 =	smul.u32 $0x14000, s2  }
0x6: {  	s4 =	sshll.u32 s7, $0x4;
	_ =	strace $0x8000004A;
	s10 =	smul.u32 $0x140000, s7  }
0x7: {  	s28 =	smul.u32 $0x50000, s2;
	s7 =	ssub.s32 $0x2, s7;
	s31 =	sshll.u32 s2, $0x6  }
0x8: {  	s9 =	sor.u32 s2, s4;
	s4 =	sadd.s32 $0x3B800, s6;
	s29 =	sshrl.u32 s7, $0x1  }
0x9: {  	s5 =	sshll.u32 s9, $0xB;
	s12 =	sshrl.u32 s8, $0x3;
	s8 =	sadd.s32 s8, s10  }
0xa: {  	s30 =	sshrl.u32 s28, $0x2;
	s14 =	ssub.s32 s7, s29;
	s7 =	sor.u32 $0x1C01, s31  }
0xb: {  	s9 =	smul.u32 $0x5000, s9;
	s11 =	sadd.s32 s5, s6;
	s5 =	sadd.s32 $0x8BE00, s6  }
0xc: {  	s12 =	sadd.s32 s12, s6;
	s8 =	sshrl.u32 s8, $0x3;
	s15 =	sadd.s32 s30, s1  }
0xd: {  	s13 =	sadd.s32 s8, s6;
	s6 =	sadd.s32 $0x13800, s12;
	s8 =	sadd.s32 $0x9FE00, s11  }
0xe: {  	s11 =	smax.u32 s14, $0x1;
	s12 =	sshrl.u32 s15, $0x3;
	s14 =	simm.s32 $0x80  }
0xf: {  	s15 =	simm.s32 $0x400;
	s10 =	sadd.s32 $0xAFE00, s13;
	s13 =	simm.s32 $0x1  }
.LBB2_1:
0x10: {  	[spmem:s12], [sflag:s7] =	dma.local [hbm:s6], $0x2800  }
0x11: {  	_ =	swait.ge [sflag:s13], $0x2800  }
0x12: {  	[sflag:s13] =	ssyncset.done $0x0  }
0x13: {  	[sflag:s13] =	ssyncadd.s32 $0xFFFFD800  }
0x14: {  	s18 =	simm.s32 $0x0;
	[bflag:$0x0] =	sbarrier.arrive $0xFFFF  }
.LBB2_2:
0x15: {  	s19 =	sshll.u32 s18, $0x4  }
0x16: {  	s20 =	simm.s32 $0x0;
	s30 =	sshll.u32 s18, $0xC;
	s19 =	sadd.s32 s19, s8  }
0x17: {  	[tilespmem:s20], [sflag:$0x1] =	stream.strided.gather [hbm4b:s19+s14], $0x800, s15, s14, $0x38;
	[tilespmem:$0x18000] =	vst v63  }
0x18: {  	s19 =	sadd.s32 s9, s30;
	_ =	swait.ge [sflag:s13], $0x800  }
0x19: {  	s19 =	sshrl.u32 s19, $0x3;
	[sflag:s13] =	ssyncset.done $0x0  }
0x1a: {  	s21 =	simm.s32 $0x800;
	s19 =	sadd.s32 s5, s19;
	[sflag:s13] =	ssyncadd.s32 $0xFFFFF800  }
0x1b: {  	[tilespmem:s21], [sflag:$0x1] =	stream.linear.gather [hbm4b:s19+s20], $0xC80, $0x38;
	[tilespmem:$0x18000] =	vst v63  }
0x1c: {  	_ =	swait.ge [sflag:s13], $0xC80  }
0x1d: {  	[sflag:s13] =	ssyncset.done $0x0  }
0x1e: {  	s31 =	simm.s32 $0x0;
	[sflag:s13] =	ssyncadd.s32 $0xFFFFF380  }
0x1f: {  	[tilespmem:s17], [sflag:$0x1] =	stream.indirect.gather [hbm4b:s4+s16], $0x80, s31, s16, $0xb8;
	[tilespmem:$0x18000] =	vst v63  }
0x20: {  	_ =	swait.ge [sflag:s13], $0x2800  }
0x21: {  	[sflag:s13] =	ssyncset.done $0x0  }
0x22: {  	[sflag:s13] =	ssyncadd.s32 $0xFFFFD800  }
0x23: {  	[spmem:s1] =	stream.indirect.scatter.add.f32 [tilespmem:s17], [sflag:$0x1], $0x80, s21, s16, $0xb8;
	[tilespmem:$0x18000] =	vst v63  }
0x24: {  	s20 =	simm.s32 $0x140;
	_ =	swait.ge [sflag:s13], $0x2800  }
0x25: {  	s19 =	simm.s32 $0x880;
	s21 =	simm.s32 $0x280;
	[sflag:s13] =	ssyncset.done $0x0  }
.LBB2_3:
0x26: {  	s22 =	sshra.s32 s20, $0x2  }
0x27: {  	[sflag:s13] =	ssyncadd.s32 $0xFFFFD800;
	s20 =	smov.u32 s21;
	s23 =	sadd.s32 $0x140, s21  }
0x28: {  	[tilespmem:s17], [sflag:$0x1] =	stream.indirect.gather [hbm4b:s4+s16], $0x80, s22, s16, $0xb8;
	[tilespmem:$0x18000] =	vst v63  }
0x29: {  	p0 =	sne.s32 s21, $0x1E00;
	_ =	swait.ge [sflag:s13], $0x2800  }
.Ltmp0:
0x2a: {  	[sflag:s13] =	ssyncset.done $0x0;
	(pc) =	sbr.rel @p0 .LBB2_3-.Ltmp0, $4  }
0x2b: {  	[sflag:s13] =	ssyncadd.s32 $0xFFFFD800  }
0x2c: {  	[spmem:s1] =	stream.indirect.scatter.add.f32 [tilespmem:s17], [sflag:$0x1], $0x80, s19, s16, $0xb8;
	[tilespmem:$0x18000] =	vst v63  }
0x2d: {  	_ =	swait.ge [sflag:s13], $0x2800  }
0x2e: {  	s21 =	smov.u32 s23;
	s19 =	sadd.s32 $0x80, s19;
	[sflag:s13] =	ssyncset.done $0x0  }
0x2f: {  	s20 =	sshra.s32 s20, $0x2;
	[sflag:s13] =	ssyncadd.s32 $0xFFFFD800  }
0x30: {  	[tilespmem:s17], [sflag:$0x1] =	stream.indirect.gather [hbm4b:s4+s16], $0x80, s20, s16, $0xb8;
	[tilespmem:$0x18000] =	vst v63  }
0x31: {  	s18 =	sadd.s32 $0x1, s18;
	_ =	swait.ge [sflag:s13], $0x2800  }
0x32: {  	p0 =	sne.s32 s18, $0x5;
	[sflag:s13] =	ssyncset.done $0x0  }
.Ltmp1:
0x33: {  	[sflag:s13] =	ssyncadd.s32 $0xFFFFD800;
	(pc) =	sbr.rel @p0 .LBB2_2-.Ltmp1, $4  }
0x34: {  	[spmem:s1] =	stream.indirect.scatter.add.f32 [tilespmem:s17], [sflag:$0x1], $0x80, s19, s16, $0xb8;
	[tilespmem:$0x18000] =	vst v63  }
0x35: {  	_ =	swait.ge [sflag:s13], $0x2800  }
0x36: {  	[sflag:s13] =	ssyncset.done $0x0  }
0x37: {  	[sflag:s13] =	ssyncadd.s32 $0xFFFFD800  }
0x38: {  	s3 =	sadd.s32 $0x1, s3  }
0x39: {  	p0 =	sne.s32 s3, s11  }
.Ltmp2:
0x3a: {  	[bflag:$0x0] =	sbarrier.arrive $0xFFFF;
	(pc) =	sbr.rel @p0 .LBB2_1-.Ltmp2, $4  }
0x3b: {  	[hbm:s10], [sflag:s7] =	dma.local [spmem:s12], $0x2800  }
0x3c: {  	_ =	swait.ge [sflag:s13], $0x2800  }
0x3d: {  	[sflag:s13] =	ssyncset.done $0x0  }
0x3e: {  	[sflag:s13] =	ssyncadd.s32 $0xFFFFD800  }
0x3f: {  	_ =	sfence.sel $0x180000  }
0x40: {  	[bflag:$0x0] =	sbarrier.arrive $0xFFFF  }
0x41: {  	p0 =	sne.s32 s2, $0x0;
	_ =	strace $0x9000004A  }
0x42: {  	s0 =	sadd.s32 @!p0 $0x100000, s0;
	[bflag:$0x2] =	sbarrier.arrive $0xFFFF  }
0x43: {  	[sflag:s0] =	ssyncadd.tile.s32 @!p0 $0x1;
	_ =	shalt  }
.Lfunc_end2:
_tile_overlayer_lowered:
.L_overlay_start_2:
0x44: {  	(tag) =	ssettag $0x2  }
0x45: {  	s0 =	rddreg [dreg:$0x0];
	s2 =	stileid.u32  }
0x46: {  	s1 =	rddreg [dreg:$0x1];
	p0 =	sne.s32 s2, $0x0  }
0x47: {  	s3 =	rddreg [dreg:$0x2];
	[bflag:$0x3] =	sbarrier.arrive $0xFFFF;
	s2 =	simm.s32 @!p0 $0x1C01  }
0x48: {  	[timem:s3], [sflag:s2] =	dma.local @!p0 [hbm:s0], s1  }
0x49: {  	s0 =	simm.s32 @!p0 $0x1  }
0x4a: {  	_ =	swait.ge @!p0 [sflag:s0], s1  }
0x4b: {  	s1 =	ssub.s32 @!p0 $0x0, s1;
	[sflag:s0] =	ssyncset.done @!p0 $0x0  }
0x4c: {  	[sflag:s0] =	ssyncadd.s32 @!p0 s1  }
0x4d: {  	[bflag:$0x3] =	sbarrier.arrive $0xFFFF  }
0x4e: {  	_ =	shalt  }

// kernel: kernel.16.cloned.1.call-start
scs
__scs_entry_jumppad:
0x0: {  	(pc) =	sbr.rel $0x88, $3  }
0x1: {  	(tag) =	ssettag $0x0;
	lr =	simm.s32 $0x1  }
0x2: {  	[smem:$0x3F94] =	sst lr;
	_ =	strace $0xD0000000  }
0x3: {  	_ = 	snop  }
0x4: {  	_ = 	snop  }
0x5: {  	_ = 	snop  }
0x6: {  	_ = 	snop  }
0x7: {  	_ = 	snop  }
__scs_overlays_trampoline_lowered:
0x8: {  	[smem:$0x3FA3] =	sst s0  }
0x9: {  	[smem:$0x3FA4] =	sst s1  }
0xa: {  	[smem:$0x3FA5] =	sst s2  }
0xb: {  	[smem:$0x3FA6] =	sst s3  }
0xc: {  	[smem:$0x3FA7] =	sst s4  }
0xd: {  	[smem:$0x3FA8] =	sst s5  }
0xe: {  	[smem:$0x3FA9] =	sst s6  }
0xf: {  	[smem:$0x3FAA] =	sst s7  }
0x10: {  	[smem:$0x3FAB] =	sst s8  }
0x11: {  	[smem:$0x3FAC] =	sst s9;
	s0 =	simm.s32 @!p0 $0x0  }
0x12: {  	s1 =	sld [smem:$0x3F92];
	s0 =	simm.s32 @p0 $0x1  }
0x13: {  	[smem:$0x3FAD] =	sst s0;
	s0 =	simm.s32 @!p1 $0x0  }
0x14: {  	s2 =	sld [smem:$0x3F91];
	s0 =	simm.s32 @p1 $0x1  }
0x15: {  	[smem:$0x3FAE] =	sst s0;
	s0 =	simm.s32 @!p2 $0x0  }
0x16: {  	s3 =	sld [smem:$0x3FDB];
	s0 =	simm.s32 @p2 $0x1  }
0x17: {  	s4 =	simm.s32 $0x1BF5;
	[smem:$0x3FB0] =	sst s0  }
0x18: {  	s0 =	sld [smem:$0x3F93];
	_ =	swait.ge [sflag:s4], $0x0  }
0x19: {  	s7 =	sld [smem:$0x3F94]  }
0x1a: {  	s8 =	sadd.s32 $0xFFFFE003, lr  }
0x1b: {  	s9 =	sadd.s32 $0xFFFFFEF7, lr;
	s5 =	simm.s32 $0xFFFFFFFF;
	p2 =	slt.u32 s8, $0xFFFFF086  }
0x1c: {  	p1 =	slt.u32 s9, $0xF7A;
	s5 =	simm.s32 @!p2 $0x0  }
0x1d: {  	s5 =	simm.s32 @p1 $0x1;
	p0 =	seq.s32 s7, s2  }
0x1e: {  	s7 =	smul.u32 @!p0 $0xF7A, s2;
	p2 =	seq.s32 @!p0 s5, $0x0  }
0x1f: {  	s9 =	smul.u32 $0xF7A, s1;
	s8 =	simm.s32 @!p0 $0x1BF5;
	p2 =	por !p2, p0  }
0x20: {  	[sflag:s8] =	ssyncset.s32 @!p0 $0xFFFFF086;
	s6 =	sadd.s32 @!p0 s3, s7;
	s7 =	simm.s32 @!p0 $0x108  }
0x21: {  	s3 =	sadd.s32 s3, s9;
	s6 =	sadd.s32 @!p0 $0x88, s6;
	s7 =	simm.s32 @p2 $0x1082  }
0x22: {  	[simem:s7], [sflag:s8] =	dma.local @!p0 [hbm:s6], $0xF7A  }
0x23: {  	s9 =	sor.u32 $0xD0000000, s2;
	s6 =	simm.s32 $0x108;
	_ =	swait.ge @!p0 [sflag:s8], $0x0  }
0x24: {  	s3 =	sadd.s32 $0x88, s3;
	s6 =	simm.s32 @!p1 $0x1082;
	[sflag:s4] =	ssyncset.s32 $0xFFFFF086  }
0x25: {  	[simem:s6], [sflag:s4] =	dma.local [hbm:s3], $0xF7A  }
0x26: {  	[smem:$0x3F94] =	sst s1;
	(tag) =	ssettag s2;
	_ =	strace s9  }
0x27: {  	s1 =	sld [smem:$0x3FA4]  }
0x28: {  	s2 =	sld [smem:$0x3FA5]  }
0x29: {  	s4 =	sld [smem:$0x3FA7]  }
0x2a: {  	p0 =	seq.s32 s5, $0x0;
	s5 =	sld [smem:$0x3FA8]  }
0x2b: {  	s6 =	sld [smem:$0x3FA9]  }
0x2c: {  	s7 =	sld [smem:$0x3FAA]  }
0x2d: {  	s3 =	simm.s32 $0x108;
	s8 =	sld [smem:$0x3FAB]  }
0x2e: {  	s3 =	simm.s32 @!p0 $0x1082;
	s9 =	sld [smem:$0x3FAC]  }
0x2f: {  	lr =	sadd.s32 s0, s3;
	s0 =	sld [smem:$0x3FA3]  }
0x30: {  	s3 =	sld [smem:$0x3FA6]  }
0x31: {  	[smem:$0x3FAF] =	sst s10  }
0x32: {  	s10 =	sld [smem:$0x3FAD];
	_ =	sdelay $0x3  }
0x33: {  	p0 =	seq.s32 s10, $0x1;
	s10 =	sld [smem:$0x3FAF];
	_ =	sdelay $0x3  }
0x34: {  	[smem:$0x3FAF] =	sst s10  }
0x35: {  	s10 =	sld [smem:$0x3FAE];
	_ =	sdelay $0x3  }
0x36: {  	p1 =	seq.s32 s10, $0x1;
	s10 =	sld [smem:$0x3FAF];
	_ =	sdelay $0x3  }
0x37: {  	[smem:$0x3FAF] =	sst s10  }
0x38: {  	s10 =	sld [smem:$0x3FB0]  }
0x39: {  	_ = 	snop;
	(pc) =	sbr.ind lr, $3  }
0x3a: {  	_ = 	snop  }
0x3b: {  	_ = 	snop  }
0x3c: {  	p2 =	seq.s32 s10, $0x1;
	s10 =	sld [smem:$0x3FAF]  }
0x3d: {  	_ =	shalt  }
0x3e: {  	_ =	shalt  }
0x3f: {  	_ =	shalt  }
0x40: {  	_ =	shalt  }
0x41: {  	_ =	shalt  }
0x42: {  	_ =	shalt  }
0x43: {  	_ =	shalt  }
0x44: {  	_ =	shalt  }
0x45: {  	_ =	shalt  }
0x46: {  	_ =	shalt  }
0x47: {  	_ =	shalt  }
0x48: {  	_ =	shalt  }
0x49: {  	_ =	shalt  }
0x4a: {  	_ =	shalt  }
0x4b: {  	_ =	shalt  }
0x4c: {  	_ =	shalt  }
0x4d: {  	_ =	shalt  }
0x4e: {  	_ =	shalt  }
0x4f: {  	_ =	shalt  }
0x50: {  	_ =	shalt  }
0x51: {  	_ =	shalt  }
0x52: {  	_ =	shalt  }
0x53: {  	_ =	shalt  }
0x54: {  	_ =	shalt  }
0x55: {  	_ =	shalt  }
0x56: {  	_ =	shalt  }
0x57: {  	_ =	shalt  }
0x58: {  	_ =	shalt  }
0x59: {  	_ =	shalt  }
0x5a: {  	_ =	shalt  }
0x5b: {  	_ =	shalt  }
0x5c: {  	_ =	shalt  }
0x5d: {  	_ =	shalt  }
0x5e: {  	_ =	shalt  }
0x5f: {  	_ =	shalt  }
0x60: {  	_ =	shalt  }
0x61: {  	_ =	shalt  }
0x62: {  	_ =	shalt  }
0x63: {  	_ =	shalt  }
0x64: {  	_ =	shalt  }
0x65: {  	_ =	shalt  }
0x66: {  	_ =	shalt  }
0x67: {  	_ =	shalt  }
0x68: {  	_ =	shalt  }
0x69: {  	_ =	shalt  }
0x6a: {  	_ =	shalt  }
0x6b: {  	_ =	shalt  }
0x6c: {  	_ =	shalt  }
0x6d: {  	_ =	shalt  }
0x6e: {  	_ =	shalt  }
0x6f: {  	_ =	shalt  }
0x70: {  	_ =	shalt  }
0x71: {  	_ =	shalt  }
0x72: {  	_ =	shalt  }
0x73: {  	_ =	shalt  }
0x74: {  	_ =	shalt  }
0x75: {  	_ =	shalt  }
0x76: {  	_ =	shalt  }
0x77: {  	_ =	shalt  }
0x78: {  	_ =	shalt  }
0x79: {  	_ =	shalt  }
0x7a: {  	_ =	shalt  }
0x7b: {  	_ =	shalt  }
0x7c: {  	_ =	shalt  }
0x7d: {  	_ =	shalt  }
0x7e: {  	_ =	shalt  }
0x7f: {  	_ =	shalt  }
0x80: {  	_ =	shalt  }
0x81: {  	_ =	shalt  }
0x82: {  	_ =	shalt  }
0x83: {  	_ =	shalt  }
0x84: {  	_ =	shalt  }
0x85: {  	_ =	shalt  }
0x86: {  	_ =	shalt  }
0x87: {  	_ =	shalt  }
.Lfunc_end0:
.L_simem_size_0:
called_computation.2_lowered:
.L_overlay_start_0:
0x88: {  	s2 =	sld [smem:$0x3FD9]  }
0x89: {  	s3 =	sld [smem:$0x3FFE];
	_ =	sdelay $0x1  }
0x8a: {  	s1 =	srdreg.scid  }
0x8b: {  	s0 =	sand.u32 $0x1, s1  }
0x8c: {  	s16 =	sshll.u32 s0, $0xA;
	s2 =	sadd.s32 s3, s2  }
0x8d: {  	s2 =	sadd.s32 s2, s16  }
0x8e: {  	[smem:$0x3FBB] =	sst s2  }
0x8f: {  	_ = 	snop  }
0x90: {  	(tm) =	ssettm $0x1  }
0x91: {  	s17 =	sld [smem:$0x3FFB];
	_ =	sdelay $0x3  }
0x92: {  	_ =	strace s17  }
0x93: {  	s2 =	sld [smem:$0x3FFC];
	_ =	sdelay $0x3  }
0x94: {  	_ =	strace s2  }
0x95: {  	s2 =	sld [smem:$0x3FFD];
	_ =	sdelay $0x3  }
0x96: {  	_ =	strace s2  }
0x97: {  	_ =	strace $0x8FFFFFFF  }
0x98: {  	s18 =	sld [smem:$0x3FDB];
	_ =	sdelay $0x1  }
0x99: {  	s19 =	simm.s32 $_scs_section_size  }
0x9a: {  	s4 =	simm.s32 $_size__tile_overlayer_lowered;
	s5 =	simm.s32 $_tile_overlayer_lowered  }
0x9b: {  	s22 =	simm.s32 $0x1BFF;
	s21 =	sshll.u32 s5, $0x1;
	s2 =	sadd.s32 s19, s18  }
0x9c: {  	s6 =	simm.s32 $0x0;
	s20 =	sshll.u32 s4, $0x1;
	s4 =	sadd.s32 s21, s2  }
0x9d: {  	[timem:s6], [sflag:s22] =	dma.local [hbm:s4], s20  }
0x9e: {  	_ =	swait.ge [sflag:s22], s20  }
0x9f: {  	s3 =	ssub.s32 $0x0, s20;
	[sflag:s22] =	ssyncset.done $0x0  }
0xa0: {  	[sflag:s22] =	ssyncadd.s32 s3;
	_ =	sdelay $0x1  }
0xa1: {  	s23 =	simm.s32 $0x1B8B  }
0xa2: {  	_ =	swait.ge [sflag:s23], $0x1  }
0xa3: {  	[sflag:s23] =	ssyncset.done $0x0  }
0xa4: {  	s25 =	simm.s32 $0x1B8E;
	s24 =	sld [smem:$0x3FFE];
	[sflag:s23] =	ssyncadd.s32 $0xFFFFFFFF  }
0xa5: {  	s26 =	simm.s32 $execute0_lowered;
	[smem:$0x3FD2] =	sst s25  }
0xa6: {  	s4 =	sshll.u32 s26, $0x1;
	_ =	strace $0x8000004C;
	[dreg:$0x1] =	wrdreg $0xFFFFFFFF  }
0xa7: {  	s28 =	simm.s32 $_size_execute0_lowered;
	s2 =	sadd.s32 s2, s4;
	[dreg:$0x0] =	wrdreg $0x0  }
0xa8: {  	s4 =	sshll.u32 s28, $0x1;
	[dreg:$0x2] =	wrdreg s2  }
0xa9: {  	[dreg:$0x3] =	wrdreg s4  }
0xaa: {  	[dreg:$0x4] =	wrdreg $0xC0  }
0xab: {  	_ =	task [dreg:s6], $0x5FFFF  }
0xac: {  	[dreg:$0x1] =	wrdreg $0xFFFFFFFF  }
0xad: {  	[dreg:$0x0] =	wrdreg $0x60  }
0xae: {  	[dreg:$0x2] =	wrdreg s24  }
0xaf: {  	[dreg:$0x3] =	wrdreg $0x40000  }
0xb0: {  	[dreg:$0x4] =	wrdreg $0x9  }
0xb1: {  	_ =	task.clear_ibuf [dreg:s6], $0x5FFFF;
	_ =	strace $0x9000004C  }
0xb2: {  	s29 =	simm.s32 $0x9;
	_ =	strace $0x8000004E  }
0xb3: {  	_ =	swait.ge [sflag:s29], $0x1  }
0xb4: {  	[sflag:s29] =	ssyncadd.s32 $0xFFFFFFFF  }
0xb5: {  	_ =	strace $0x9000004E  }
0xb6: {  	_ =	sfence  }
0xb7: {  	s30 =	sld [smem:$0x0];
	_ =	sdelay $0x2  }
0xb8: {  	s31 =	sshll.u32 s1, $0xD;
	s1 =	sshrl.u32 s1, $0x2  }
0xb9: {  	s3 =	sand.u32 $0x4000, s31;
	s1 =	sadd.s32 s1, s30  }
0xba: {  	s0 =	sor.u32 s3, s0;
	s1 =	sshll.u32 s1, $0x11  }
0xbb: {  	s0 =	sor.u32 s1, s0  }
0xbc: {  	s0 =	sadd.s32 $0x8F2B, s0  }
0xbd: {  	[sflag:s0] =	ssyncadd.remote.s32 $0x1  }
0xbe: {  	_ =	sfence.sel $0xFFFF  }
0xbf: {  	[dreg:$0x0] =	wrdreg $0xFFFFFFFF;
	(pc) =	sbr.abs _section_cstart, $3  }
0xc0: {  	[dreg:$0x1] =	wrdreg $0xFFFFFFFF  }
0xc1: {  	_ =	task.clear_ibuf [dreg:s6], $0x2FFFF;
	_ =	strace $0x9FFFFFFF  }
0xc2: {  	(tm) =	ssettm $0x7FFFFFFF  }
0xc3: {  	_ =	shalt  }
tec
execute0_lowered:
.L_overlay_start_1:
0x0: {  	(tag) =	ssettag $0x1  }
0x1: {  	s6 =	rddreg [dreg:$0x0]  }
0x2: {  	s1 =	rddreg [dreg:$0x1]  }
0x3: {  	s0 =	rddreg [dreg:$0x2];
	s3 =	simm.s32 $0x0;
	s2 =	stileid.u32  }
0x4: {  	s4 =	srdreg.scid;
	s15 =	simm.s32 $0x400;
	s17 =	simm.s32 $0x50  }
0x5: {  	s18 =	simm.s32 $0x1800;
	[smem:$0x7FF] =	sst s3;
	s5 =	sshll.u32 s2, $0xC  }
0x6: {  	s7 =	smul.u32 $0x14000, s2;
	s8 =	sand.u32 $0x1, s4;
	s4 =	sadd.s32 $0x76A00, s6  }
0x7: {  	s12 =	smul.u32 $0x50000, s2;
	s31 =	sshll.u32 s2, $0x6;
	_ =	strace $0x8000004D  }
0x8: {  	s9 =	sadd.s32 s5, s6;
	s10 =	smul.u32 $0x140000, s8;
	s5 =	sadd.s32 $0x62A00, s6  }
0x9: {  	s30 =	ssub.s32 $0x2, s8;
	s16 =	smul.u32 $0x2710, s8;
	s11 =	sshrl.u32 s7, $0x3  }
0xa: {  	s13 =	sshrl.u32 s30, $0x1;
	s12 =	sshrl.u32 s12, $0x2;
	s8 =	sadd.s32 $0x3800, s9  }
0xb: {  	s9 =	smul.u32 $0xA000, s2;
	s11 =	sadd.s32 s11, s6;
	s7 =	sadd.s32 s7, s10  }
0xc: {  	s13 =	ssub.s32 s30, s13;
	s12 =	sadd.s32 s12, s1;
	s7 =	sshrl.u32 s7, $0x3  }
0xd: {  	v0 =	vmov s16;
	s16 =	simm.s32 $0x800;
	s12 =	sshrl.u32 s12, $0x3;
	s14 =	sadd.s32 s7, s6  }
0xe: {  	s6 =	sadd.s32 $0x13800, s11;
	s7 =	sor.u32 $0x1C01, s31;
	s11 =	smax.u32 s13, $0x1  }
0xf: {  	s13 =	simm.s32 $0x1;
	s10 =	sadd.s32 $0xC4C00, s14;
	s14 =	simm.s32 $0x80  }
.LBB2_1:
0x10: {  	[spmem:s12], [sflag:s7] =	dma.local [hbm:s6], $0x2800  }
0x11: {  	_ =	swait.ge [sflag:s13], $0x2800  }
0x12: {  	[sflag:s13] =	ssyncset.done $0x0  }
0x13: {  	[sflag:s13] =	ssyncadd.s32 $0xFFFFD800  }
0x14: {  	s19 =	simm.s32 $0x0;
	[bflag:$0x0] =	sbarrier.arrive $0xFFFF  }
.LBB2_2:
0x15: {  	s20 =	sshll.u32 s19, $0x8  }
0x16: {  	s21 =	sshll.u32 s19, $0x4;
	s20 =	sand.u32 $0x800, s20  }
0x17: {  	s21 =	sand.u32 $0x70, s21;
	s20 =	sadd.s32 s20, s8  }
0x18: {  	s30 =	simm.s32 $0x0;
	s31 =	sshll.u32 s19, $0xC;
	s20 =	sadd.s32 s21, s20  }
0x19: {  	[tilespmem:s30], [sflag:$0x1] =	stream.strided.gather [hbm4b:s20+s14], $0x800, s15, s14, $0x38;
	[tilespmem:$0x18000] =	vst v63  }
0x1a: {  	s20 =	sadd.s32 s9, s31;
	_ =	swait.ge [sflag:s13], $0x800  }
0x1b: {  	s20 =	sshrl.u32 s20, $0x3;
	[sflag:s13] =	ssyncset.done $0x0  }
0x1c: {  	s20 =	sadd.s32 s5, s20;
	[sflag:s13] =	ssyncadd.s32 $0xFFFFF800  }
0x1d: {  	[tilespmem:s16], [sflag:$0x1] =	stream.linear.gather [hbm4b:s20+s30], $0xC80, $0x38;
	[tilespmem:$0x18000] =	vst v63  }
0x1e: {  	_ =	swait.ge [sflag:s13], $0xC80  }
0x1f: {  	[sflag:s13] =	ssyncset.done $0x0  }
0x20: {  	s21 =	simm.s32 $0x40;
	s20 =	simm.s32 $0x0;
	[sflag:s13] =	ssyncadd.s32 $0xFFFFF380  }
.LBB2_3:
0x21: {  	p0 =	sne.s32 s21, $0x1F00;
	v1 =	vld [tilespmem:s20+$0x0];
	_ =	sdelay $0x1  }
.Ltmp0:
0x22: {  	(pc) =	sbr.rel @p0 .LBB2_3-.Ltmp0, $3  }
0x23: {  	_ =	sdelay $0x1  }
0x24: {  	v1 =	vadd.s32 v0, v1  }
0x25: {  	[tilespmem:s20+$0x0] =	vst v1;
	s20 =	sshra.s32 s21, $0x2;
	s21 =	sadd.s32 $0x40, s21  }
0x26: {  	v1 =	vld [tilespmem:s20+$0x0];
	_ =	sdelay $0x4  }
0x27: {  	v1 =	vadd.s32 v0, v1  }
0x28: {  	s30 =	simm.s32 $0x0;
	[tilespmem:s20+$0x0] =	vst v1  }
0x29: {  	[tilespmem:s18], [sflag:$0x1] =	stream.indirect.gather [hbm4b:s4+s17], $0x80, s30, s17, $0xb8;
	[tilespmem:$0x18000] =	vst v63  }
0x2a: {  	_ =	swait.ge [sflag:s13], $0x2800  }
0x2b: {  	[sflag:s13] =	ssyncset.done $0x0  }
0x2c: {  	s31 =	simm.s32 $0x800;
	[sflag:s13] =	ssyncadd.s32 $0xFFFFD800  }
0x2d: {  	[spmem:s1] =	stream.indirect.scatter.add.f32 [tilespmem:s18], [sflag:$0x1], $0x80, s31, s17, $0xb8;
	[tilespmem:$0x18000] =	vst v63  }
0x2e: {  	s21 =	simm.s32 $0x140;
	_ =	swait.ge [sflag:s13], $0x2800  }
0x2f: {  	s22 =	simm.s32 $0x280;
	s20 =	simm.s32 $0x880;
	[sflag:s13] =	ssyncset.done $0x0  }
.LBB2_5:
0x30: {  	s23 =	sshra.s32 s21, $0x2  }
0x31: {  	[sflag:s13] =	ssyncadd.s32 $0xFFFFD800;
	s21 =	smov.u32 s22;
	s24 =	sadd.s32 $0x140, s22  }
0x32: {  	[tilespmem:s18], [sflag:$0x1] =	stream.indirect.gather [hbm4b:s4+s17], $0x80, s23, s17, $0xb8;
	[tilespmem:$0x18000] =	vst v63  }
0x33: {  	p0 =	sne.s32 s22, $0x1E00;
	_ =	swait.ge [sflag:s13], $0x2800  }
.Ltmp1:
0x34: {  	[sflag:s13] =	ssyncset.done $0x0;
	(pc) =	sbr.rel @p0 .LBB2_5-.Ltmp1, $4  }
0x35: {  	[sflag:s13] =	ssyncadd.s32 $0xFFFFD800  }
0x36: {  	[spmem:s1] =	stream.indirect.scatter.add.f32 [tilespmem:s18], [sflag:$0x1], $0x80, s20, s17, $0xb8;
	[tilespmem:$0x18000] =	vst v63  }
0x37: {  	_ =	swait.ge [sflag:s13], $0x2800  }
0x38: {  	s22 =	smov.u32 s24;
	s20 =	sadd.s32 $0x80, s20;
	[sflag:s13] =	ssyncset.done $0x0  }
0x39: {  	s21 =	sshra.s32 s21, $0x2;
	[sflag:s13] =	ssyncadd.s32 $0xFFFFD800  }
0x3a: {  	[tilespmem:s18], [sflag:$0x1] =	stream.indirect.gather [hbm4b:s4+s17], $0x80, s21, s17, $0xb8;
	[tilespmem:$0x18000] =	vst v63  }
0x3b: {  	s19 =	sadd.s32 $0x1, s19;
	_ =	swait.ge [sflag:s13], $0x2800  }
0x3c: {  	p0 =	sne.s32 s19, $0xA;
	[sflag:s13] =	ssyncset.done $0x0  }
.Ltmp2:
0x3d: {  	[sflag:s13] =	ssyncadd.s32 $0xFFFFD800;
	(pc) =	sbr.rel @p0 .LBB2_2-.Ltmp2, $4  }
0x3e: {  	[spmem:s1] =	stream.indirect.scatter.add.f32 [tilespmem:s18], [sflag:$0x1], $0x80, s20, s17, $0xb8;
	[tilespmem:$0x18000] =	vst v63  }
0x3f: {  	_ =	swait.ge [sflag:s13], $0x2800  }
0x40: {  	[sflag:s13] =	ssyncset.done $0x0  }
0x41: {  	[sflag:s13] =	ssyncadd.s32 $0xFFFFD800  }
0x42: {  	s3 =	sadd.s32 $0x1, s3  }
0x43: {  	p0 =	sne.s32 s3, s11  }
.Ltmp3:
0x44: {  	[bflag:$0x0] =	sbarrier.arrive $0xFFFF;
	(pc) =	sbr.rel @p0 .LBB2_1-.Ltmp3, $4  }
0x45: {  	[hbm:s10], [sflag:s7] =	dma.local [spmem:s12], $0x2800  }
0x46: {  	_ =	swait.ge [sflag:s13], $0x2800  }
0x47: {  	[sflag:s13] =	ssyncset.done $0x0  }
0x48: {  	[sflag:s13] =	ssyncadd.s32 $0xFFFFD800  }
0x49: {  	_ =	sfence.sel $0x180000  }
0x4a: {  	[bflag:$0x0] =	sbarrier.arrive $0xFFFF  }
0x4b: {  	p0 =	sne.s32 s2, $0x0;
	_ =	strace $0x9000004D  }
0x4c: {  	s0 =	sadd.s32 @!p0 $0x100000, s0;
	[bflag:$0x2] =	sbarrier.arrive $0xFFFF  }
0x4d: {  	[sflag:s0] =	ssyncadd.tile.s32 @!p0 $0x1;
	_ =	shalt  }
.Lfunc_end2:
_tile_overlayer_lowered:
.L_overlay_start_2:
0x4e: {  	(tag) =	ssettag $0x2  }
0x4f: {  	s0 =	rddreg [dreg:$0x0];
	s2 =	stileid.u32  }
0x50: {  	s1 =	rddreg [dreg:$0x1];
	p0 =	sne.s32 s2, $0x0  }
0x51: {  	s3 =	rddreg [dreg:$0x2];
	[bflag:$0x3] =	sbarrier.arrive $0xFFFF;
	s2 =	simm.s32 @!p0 $0x1C01  }
0x52: {  	[timem:s3], [sflag:s2] =	dma.local @!p0 [hbm:s0], s1  }
0x53: {  	s0 =	simm.s32 @!p0 $0x1  }
0x54: {  	_ =	swait.ge @!p0 [sflag:s0], s1  }
0x55: {  	s1 =	ssub.s32 @!p0 $0x0, s1;
	[sflag:s0] =	ssyncset.done @!p0 $0x0  }
0x56: {  	[sflag:s0] =	ssyncadd.s32 @!p0 s1  }
0x57: {  	[bflag:$0x3] =	sbarrier.arrive $0xFFFF  }
0x58: {  	_ =	shalt  }

// kernel: kernel.19.cloned.1.call-start
scs
__scs_entry_jumppad:
0x0: {  	(pc) =	sbr.rel $0x88, $3  }
0x1: {  	(tag) =	ssettag $0x0;
	lr =	simm.s32 $0x1  }
0x2: {  	[smem:$0x3F94] =	sst lr;
	_ =	strace $0xD0000000  }
0x3: {  	_ = 	snop  }
0x4: {  	_ = 	snop  }
0x5: {  	_ = 	snop  }
0x6: {  	_ = 	snop  }
0x7: {  	_ = 	snop  }
__scs_overlays_trampoline_lowered:
0x8: {  	[smem:$0x3FA3] =	sst s0  }
0x9: {  	[smem:$0x3FA4] =	sst s1  }
0xa: {  	[smem:$0x3FA5] =	sst s2  }
0xb: {  	[smem:$0x3FA6] =	sst s3  }
0xc: {  	[smem:$0x3FA7] =	sst s4  }
0xd: {  	[smem:$0x3FA8] =	sst s5  }
0xe: {  	[smem:$0x3FA9] =	sst s6  }
0xf: {  	[smem:$0x3FAA] =	sst s7  }
0x10: {  	[smem:$0x3FAB] =	sst s8  }
0x11: {  	[smem:$0x3FAC] =	sst s9;
	s0 =	simm.s32 @!p0 $0x0  }
0x12: {  	s1 =	sld [smem:$0x3F92];
	s0 =	simm.s32 @p0 $0x1  }
0x13: {  	[smem:$0x3FAD] =	sst s0;
	s0 =	simm.s32 @!p1 $0x0  }
0x14: {  	s2 =	sld [smem:$0x3F91];
	s0 =	simm.s32 @p1 $0x1  }
0x15: {  	[smem:$0x3FAE] =	sst s0;
	s0 =	simm.s32 @!p2 $0x0  }
0x16: {  	s3 =	sld [smem:$0x3FDB];
	s0 =	simm.s32 @p2 $0x1  }
0x17: {  	s4 =	simm.s32 $0x1BF5;
	[smem:$0x3FB0] =	sst s0  }
0x18: {  	s0 =	sld [smem:$0x3F93];
	_ =	swait.ge [sflag:s4], $0x0  }
0x19: {  	s7 =	sld [smem:$0x3F94]  }
0x1a: {  	s8 =	sadd.s32 $0xFFFFE003, lr  }
0x1b: {  	s9 =	sadd.s32 $0xFFFFFEF7, lr;
	s5 =	simm.s32 $0xFFFFFFFF;
	p2 =	slt.u32 s8, $0xFFFFF086  }
0x1c: {  	p1 =	slt.u32 s9, $0xF7A;
	s5 =	simm.s32 @!p2 $0x0  }
0x1d: {  	s5 =	simm.s32 @p1 $0x1;
	p0 =	seq.s32 s7, s2  }
0x1e: {  	s7 =	smul.u32 @!p0 $0xF7A, s2;
	p2 =	seq.s32 @!p0 s5, $0x0  }
0x1f: {  	s9 =	smul.u32 $0xF7A, s1;
	s8 =	simm.s32 @!p0 $0x1BF5;
	p2 =	por !p2, p0  }
0x20: {  	[sflag:s8] =	ssyncset.s32 @!p0 $0xFFFFF086;
	s6 =	sadd.s32 @!p0 s3, s7;
	s7 =	simm.s32 @!p0 $0x108  }
0x21: {  	s3 =	sadd.s32 s3, s9;
	s6 =	sadd.s32 @!p0 $0x88, s6;
	s7 =	simm.s32 @p2 $0x1082  }
0x22: {  	[simem:s7], [sflag:s8] =	dma.local @!p0 [hbm:s6], $0xF7A  }
0x23: {  	s9 =	sor.u32 $0xD0000000, s2;
	s6 =	simm.s32 $0x108;
	_ =	swait.ge @!p0 [sflag:s8], $0x0  }
0x24: {  	s3 =	sadd.s32 $0x88, s3;
	s6 =	simm.s32 @!p1 $0x1082;
	[sflag:s4] =	ssyncset.s32 $0xFFFFF086  }
0x25: {  	[simem:s6], [sflag:s4] =	dma.local [hbm:s3], $0xF7A  }
0x26: {  	[smem:$0x3F94] =	sst s1;
	(tag) =	ssettag s2;
	_ =	strace s9  }
0x27: {  	s1 =	sld [smem:$0x3FA4]  }
0x28: {  	s2 =	sld [smem:$0x3FA5]  }
0x29: {  	s4 =	sld [smem:$0x3FA7]  }
0x2a: {  	p0 =	seq.s32 s5, $0x0;
	s5 =	sld [smem:$0x3FA8]  }
0x2b: {  	s6 =	sld [smem:$0x3FA9]  }
0x2c: {  	s7 =	sld [smem:$0x3FAA]  }
0x2d: {  	s3 =	simm.s32 $0x108;
	s8 =	sld [smem:$0x3FAB]  }
0x2e: {  	s3 =	simm.s32 @!p0 $0x1082;
	s9 =	sld [smem:$0x3FAC]  }
0x2f: {  	lr =	sadd.s32 s0, s3;
	s0 =	sld [smem:$0x3FA3]  }
0x30: {  	s3 =	sld [smem:$0x3FA6]  }
0x31: {  	[smem:$0x3FAF] =	sst s10  }
0x32: {  	s10 =	sld [smem:$0x3FAD];
	_ =	sdelay $0x3  }
0x33: {  	p0 =	seq.s32 s10, $0x1;
	s10 =	sld [smem:$0x3FAF];
	_ =	sdelay $0x3  }
0x34: {  	[smem:$0x3FAF] =	sst s10  }
0x35: {  	s10 =	sld [smem:$0x3FAE];
	_ =	sdelay $0x3  }
0x36: {  	p1 =	seq.s32 s10, $0x1;
	s10 =	sld [smem:$0x3FAF];
	_ =	sdelay $0x3  }
0x37: {  	[smem:$0x3FAF] =	sst s10  }
0x38: {  	s10 =	sld [smem:$0x3FB0]  }
0x39: {  	_ = 	snop;
	(pc) =	sbr.ind lr, $3  }
0x3a: {  	_ = 	snop  }
0x3b: {  	_ = 	snop  }
0x3c: {  	p2 =	seq.s32 s10, $0x1;
	s10 =	sld [smem:$0x3FAF]  }
0x3d: {  	_ =	shalt  }
0x3e: {  	_ =	shalt  }
0x3f: {  	_ =	shalt  }
0x40: {  	_ =	shalt  }
0x41: {  	_ =	shalt  }
0x42: {  	_ =	shalt  }
0x43: {  	_ =	shalt  }
0x44: {  	_ =	shalt  }
0x45: {  	_ =	shalt  }
0x46: {  	_ =	shalt  }
0x47: {  	_ =	shalt  }
0x48: {  	_ =	shalt  }
0x49: {  	_ =	shalt  }
0x4a: {  	_ =	shalt  }
0x4b: {  	_ =	shalt  }
0x4c: {  	_ =	shalt  }
0x4d: {  	_ =	shalt  }
0x4e: {  	_ =	shalt  }
0x4f: {  	_ =	shalt  }
0x50: {  	_ =	shalt  }
0x51: {  	_ =	shalt  }
0x52: {  	_ =	shalt  }
0x53: {  	_ =	shalt  }
0x54: {  	_ =	shalt  }
0x55: {  	_ =	shalt  }
0x56: {  	_ =	shalt  }
0x57: {  	_ =	shalt  }
0x58: {  	_ =	shalt  }
0x59: {  	_ =	shalt  }
0x5a: {  	_ =	shalt  }
0x5b: {  	_ =	shalt  }
0x5c: {  	_ =	shalt  }
0x5d: {  	_ =	shalt  }
0x5e: {  	_ =	shalt  }
0x5f: {  	_ =	shalt  }
0x60: {  	_ =	shalt  }
0x61: {  	_ =	shalt  }
0x62: {  	_ =	shalt  }
0x63: {  	_ =	shalt  }
0x64: {  	_ =	shalt  }
0x65: {  	_ =	shalt  }
0x66: {  	_ =	shalt  }
0x67: {  	_ =	shalt  }
0x68: {  	_ =	shalt  }
0x69: {  	_ =	shalt  }
0x6a: {  	_ =	shalt  }
0x6b: {  	_ =	shalt  }
0x6c: {  	_ =	shalt  }
0x6d: {  	_ =	shalt  }
0x6e: {  	_ =	shalt  }
0x6f: {  	_ =	shalt  }
0x70: {  	_ =	shalt  }
0x71: {  	_ =	shalt  }
0x72: {  	_ =	shalt  }
0x73: {  	_ =	shalt  }
0x74: {  	_ =	shalt  }
0x75: {  	_ =	shalt  }
0x76: {  	_ =	shalt  }
0x77: {  	_ =	shalt  }
0x78: {  	_ =	shalt  }
0x79: {  	_ =	shalt  }
0x7a: {  	_ =	shalt  }
0x7b: {  	_ =	shalt  }
0x7c: {  	_ =	shalt  }
0x7d: {  	_ =	shalt  }
0x7e: {  	_ =	shalt  }
0x7f: {  	_ =	shalt  }
0x80: {  	_ =	shalt  }
0x81: {  	_ =	shalt  }
0x82: {  	_ =	shalt  }
0x83: {  	_ =	shalt  }
0x84: {  	_ =	shalt  }
0x85: {  	_ =	shalt  }
0x86: {  	_ =	shalt  }
0x87: {  	_ =	shalt  }
.Lfunc_end0:
.L_simem_size_0:
called_computation.3_lowered:
.L_overlay_start_0:
0x88: {  	s2 =	sld [smem:$0x3FD9]  }
0x89: {  	s3 =	sld [smem:$0x3FFE];
	_ =	sdelay $0x1  }
0x8a: {  	s1 =	srdreg.scid  }
0x8b: {  	s0 =	sand.u32 $0x1, s1  }
0x8c: {  	s16 =	sshll.u32 s0, $0xA;
	s2 =	sadd.s32 s3, s2  }
0x8d: {  	s2 =	sadd.s32 s2, s16  }
0x8e: {  	[smem:$0x3FBB] =	sst s2  }
0x8f: {  	_ = 	snop  }
0x90: {  	(tm) =	ssettm $0x1  }
0x91: {  	s17 =	sld [smem:$0x3FFB];
	_ =	sdelay $0x3  }
0x92: {  	_ =	strace s17  }
0x93: {  	s2 =	sld [smem:$0x3FFC];
	_ =	sdelay $0x3  }
0x94: {  	_ =	strace s2  }
0x95: {  	s2 =	sld [smem:$0x3FFD];
	_ =	sdelay $0x3  }
0x96: {  	_ =	strace s2  }
0x97: {  	_ =	strace $0x8FFFFFFF  }
0x98: {  	s18 =	sld [smem:$0x3FDB];
	_ =	sdelay $0x1  }
0x99: {  	s19 =	simm.s32 $_scs_section_size  }
0x9a: {  	s4 =	simm.s32 $_size__tile_overlayer_lowered;
	s5 =	simm.s32 $_tile_overlayer_lowered  }
0x9b: {  	s22 =	simm.s32 $0x1BFF;
	s21 =	sshll.u32 s5, $0x1;
	s2 =	sadd.s32 s19, s18  }
0x9c: {  	s6 =	simm.s32 $0x0;
	s20 =	sshll.u32 s4, $0x1;
	s4 =	sadd.s32 s21, s2  }
0x9d: {  	[timem:s6], [sflag:s22] =	dma.local [hbm:s4], s20  }
0x9e: {  	_ =	swait.ge [sflag:s22], s20  }
0x9f: {  	s3 =	ssub.s32 $0x0, s20;
	[sflag:s22] =	ssyncset.done $0x0  }
0xa0: {  	[sflag:s22] =	ssyncadd.s32 s3;
	_ =	sdelay $0x1  }
0xa1: {  	s23 =	simm.s32 $0x1B8B  }
0xa2: {  	_ =	swait.ge [sflag:s23], $0x1  }
0xa3: {  	[sflag:s23] =	ssyncset.done $0x0  }
0xa4: {  	s25 =	simm.s32 $0x1B8E;
	s24 =	sld [smem:$0x3FFE];
	[sflag:s23] =	ssyncadd.s32 $0xFFFFFFFF  }
0xa5: {  	s26 =	simm.s32 $execute0_lowered;
	[smem:$0x3FD2] =	sst s25  }
0xa6: {  	s4 =	sshll.u32 s26, $0x1;
	_ =	strace $0x8000004F;
	[dreg:$0x1] =	wrdreg $0xFFFFFFFF  }
0xa7: {  	s28 =	simm.s32 $_size_execute0_lowered;
	s2 =	sadd.s32 s2, s4;
	[dreg:$0x0] =	wrdreg $0x0  }
0xa8: {  	s4 =	sshll.u32 s28, $0x1;
	[dreg:$0x2] =	wrdreg s2  }
0xa9: {  	[dreg:$0x3] =	wrdreg s4  }
0xaa: {  	[dreg:$0x4] =	wrdreg $0xC0  }
0xab: {  	_ =	task [dreg:s6], $0x5FFFF  }
0xac: {  	[dreg:$0x1] =	wrdreg $0xFFFFFFFF  }
0xad: {  	[dreg:$0x0] =	wrdreg $0x60  }
0xae: {  	[dreg:$0x2] =	wrdreg s24  }
0xaf: {  	[dreg:$0x3] =	wrdreg $0x40000  }
0xb0: {  	[dreg:$0x4] =	wrdreg $0x9  }
0xb1: {  	_ =	task.clear_ibuf [dreg:s6], $0x5FFFF;
	_ =	strace $0x9000004F  }
0xb2: {  	s29 =	simm.s32 $0x9;
	_ =	strace $0x80000051  }
0xb3: {  	_ =	swait.ge [sflag:s29], $0x1  }
0xb4: {  	[sflag:s29] =	ssyncadd.s32 $0xFFFFFFFF  }
0xb5: {  	_ =	strace $0x90000051  }
0xb6: {  	_ =	sfence  }
0xb7: {  	s30 =	sld [smem:$0x0];
	_ =	sdelay $0x2  }
0xb8: {  	s31 =	sshll.u32 s1, $0xD;
	s1 =	sshrl.u32 s1, $0x2  }
0xb9: {  	s3 =	sand.u32 $0x4000, s31;
	s1 =	sadd.s32 s1, s30  }
0xba: {  	s0 =	sor.u32 s3, s0;
	s1 =	sshll.u32 s1, $0x11  }
0xbb: {  	s0 =	sor.u32 s1, s0  }
0xbc: {  	s0 =	sadd.s32 $0x8F2B, s0  }
0xbd: {  	[sflag:s0] =	ssyncadd.remote.s32 $0x1  }
0xbe: {  	_ =	sfence.sel $0xFFFF  }
0xbf: {  	[dreg:$0x0] =	wrdreg $0xFFFFFFFF;
	(pc) =	sbr.abs _section_cstart, $3  }
0xc0: {  	[dreg:$0x1] =	wrdreg $0xFFFFFFFF  }
0xc1: {  	_ =	task.clear_ibuf [dreg:s6], $0x2FFFF;
	_ =	strace $0x9FFFFFFF  }
0xc2: {  	(tm) =	ssettm $0x7FFFFFFF  }
0xc3: {  	_ =	shalt  }
tec
execute0_lowered:
.L_overlay_start_1:
0x0: {  	(tag) =	ssettag $0x1  }
0x1: {  	s6 =	rddreg [dreg:$0x0]  }
0x2: {  	s1 =	rddreg [dreg:$0x1]  }
0x3: {  	s0 =	rddreg [dreg:$0x2];
	s3 =	simm.s32 $0x0;
	s2 =	stileid.u32  }
0x4: {  	s4 =	srdreg.scid;
	s15 =	simm.s32 $0x400;
	s17 =	simm.s32 $0x50  }
0x5: {  	s18 =	simm.s32 $0x1800;
	[smem:$0x7FF] =	sst s3;
	s5 =	sshll.u32 s2, $0xC  }
0x6: {  	s7 =	smul.u32 $0x14000, s2;
	s8 =	sand.u32 $0x1, s4;
	s4 =	sadd.s32 $0x76A00, s6  }
0x7: {  	s12 =	smul.u32 $0x50000, s2;
	s31 =	sshll.u32 s2, $0x6;
	_ =	strace $0x80000050  }
0x8: {  	s9 =	sadd.s32 s5, s6;
	s10 =	smul.u32 $0x140000, s8;
	s5 =	sadd.s32 $0x62A00, s6  }
0x9: {  	s30 =	ssub.s32 $0x2, s8;
	s16 =	smul.u32 $0x2710, s8;
	s11 =	sshrl.u32 s7, $0x3  }
0xa: {  	s13 =	sshrl.u32 s30, $0x1;
	s12 =	sshrl.u32 s12, $0x2;
	s8 =	sadd.s32 $0x3800, s9  }
0xb: {  	s9 =	smul.u32 $0xA000, s2;
	s11 =	sadd.s32 s11, s6;
	s7 =	sadd.s32 s7, s10  }
0xc: {  	s13 =	ssub.s32 s30, s13;
	s12 =	sadd.s32 s12, s1;
	s7 =	sshrl.u32 s7, $0x3  }
0xd: {  	v0 =	vmov s16;
	s16 =	simm.s32 $0x800;
	s12 =	sshrl.u32 s12, $0x3;
	s14 =	sadd.s32 s7, s6  }
0xe: {  	s6 =	sadd.s32 $0x13800, s11;
	s7 =	sor.u32 $0x1C01, s31;
	s11 =	smax.u32 s13, $0x1  }
0xf: {  	s13 =	simm.s32 $0x1;
	s10 =	sadd.s32 $0xC4C00, s14;
	s14 =	simm.s32 $0x80  }
.LBB2_1:
0x10: {  	[spmem:s12], [sflag:s7] =	dma.local [hbm:s6], $0x2800  }
0x11: {  	_ =	swait.ge [sflag:s13], $0x2800  }
0x12: {  	[sflag:s13] =	ssyncset.done $0x0  }
0x13: {  	[sflag:s13] =	ssyncadd.s32 $0xFFFFD800  }
0x14: {  	s19 =	simm.s32 $0x0;
	[bflag:$0x0] =	sbarrier.arrive $0xFFFF  }
.LBB2_2:
0x15: {  	s20 =	sshll.u32 s19, $0x8  }
0x16: {  	s21 =	sshll.u32 s19, $0x4;
	s20 =	sand.u32 $0x800, s20  }
0x17: {  	s21 =	sand.u32 $0x70, s21;
	s20 =	sadd.s32 s20, s8  }
0x18: {  	s30 =	simm.s32 $0x0;
	s31 =	sshll.u32 s19, $0xC;
	s20 =	sadd.s32 s21, s20  }
0x19: {  	[tilespmem:s30], [sflag:$0x1] =	stream.strided.gather [hbm4b:s20+s14], $0x800, s15, s14, $0x38;
	[tilespmem:$0x18000] =	vst v63  }
0x1a: {  	s20 =	sadd.s32 s9, s31;
	_ =	swait.ge [sflag:s13], $0x800  }
0x1b: {  	s20 =	sshrl.u32 s20, $0x3;
	[sflag:s13] =	ssyncset.done $0x0  }
0x1c: {  	s20 =	sadd.s32 s5, s20;
	[sflag:s13] =	ssyncadd.s32 $0xFFFFF800  }
0x1d: {  	[tilespmem:s16], [sflag:$0x1] =	stream.linear.gather [hbm4b:s20+s30], $0xC80, $0x38;
	[tilespmem:$0x18000] =	vst v63  }
0x1e: {  	_ =	swait.ge [sflag:s13], $0xC80  }
0x1f: {  	[sflag:s13] =	ssyncset.done $0x0  }
0x20: {  	s21 =	simm.s32 $0x40;
	s20 =	simm.s32 $0x0;
	[sflag:s13] =	ssyncadd.s32 $0xFFFFF380  }
.LBB2_3:
0x21: {  	p0 =	sne.s32 s21, $0x1F00;
	v1 =	vld [tilespmem:s20+$0x0];
	_ =	sdelay $0x1  }
.Ltmp0:
0x22: {  	(pc) =	sbr.rel @p0 .LBB2_3-.Ltmp0, $3  }
0x23: {  	_ =	sdelay $0x1  }
0x24: {  	v1 =	vadd.s32 v0, v1  }
0x25: {  	[tilespmem:s20+$0x0] =	vst v1;
	s20 =	sshra.s32 s21, $0x2;
	s21 =	sadd.s32 $0x40, s21  }
0x26: {  	v1 =	vld [tilespmem:s20+$0x0];
	_ =	sdelay $0x4  }
0x27: {  	v1 =	vadd.s32 v0, v1  }
0x28: {  	s30 =	simm.s32 $0x0;
	[tilespmem:s20+$0x0] =	vst v1  }
0x29: {  	[tilespmem:s18], [sflag:$0x1] =	stream.indirect.gather [hbm4b:s4+s17], $0x80, s30, s17, $0xb8;
	[tilespmem:$0x18000] =	vst v63  }
0x2a: {  	_ =	swait.ge [sflag:s13], $0x2800  }
0x2b: {  	[sflag:s13] =	ssyncset.done $0x0  }
0x2c: {  	s31 =	simm.s32 $0x800;
	[sflag:s13] =	ssyncadd.s32 $0xFFFFD800  }
0x2d: {  	[spmem:s1] =	stream.indirect.scatter.add.f32 [tilespmem:s18], [sflag:$0x1], $0x80, s31, s17, $0xb8;
	[tilespmem:$0x18000] =	vst v63  }
0x2e: {  	s21 =	simm.s32 $0x140;
	_ =	swait.ge [sflag:s13], $0x2800  }
0x2f: {  	s22 =	simm.s32 $0x280;
	s20 =	simm.s32 $0x880;
	[sflag:s13] =	ssyncset.done $0x0  }
.LBB2_5:
0x30: {  	s23 =	sshra.s32 s21, $0x2  }
0x31: {  	[sflag:s13] =	ssyncadd.s32 $0xFFFFD800;
	s21 =	smov.u32 s22;
	s24 =	sadd.s32 $0x140, s22  }
0x32: {  	[tilespmem:s18], [sflag:$0x1] =	stream.indirect.gather [hbm4b:s4+s17], $0x80, s23, s17, $0xb8;
	[tilespmem:$0x18000] =	vst v63  }
0x33: {  	p0 =	sne.s32 s22, $0x1E00;
	_ =	swait.ge [sflag:s13], $0x2800  }
.Ltmp1:
0x34: {  	[sflag:s13] =	ssyncset.done $0x0;
	(pc) =	sbr.rel @p0 .LBB2_5-.Ltmp1, $4  }
0x35: {  	[sflag:s13] =	ssyncadd.s32 $0xFFFFD800  }
0x36: {  	[spmem:s1] =	stream.indirect.scatter.add.f32 [tilespmem:s18], [sflag:$0x1], $0x80, s20, s17, $0xb8;
	[tilespmem:$0x18000] =	vst v63  }
0x37: {  	_ =	swait.ge [sflag:s13], $0x2800  }
0x38: {  	s22 =	smov.u32 s24;
	s20 =	sadd.s32 $0x80, s20;
	[sflag:s13] =	ssyncset.done $0x0  }
0x39: {  	s21 =	sshra.s32 s21, $0x2;
	[sflag:s13] =	ssyncadd.s32 $0xFFFFD800  }
0x3a: {  	[tilespmem:s18], [sflag:$0x1] =	stream.indirect.gather [hbm4b:s4+s17], $0x80, s21, s17, $0xb8;
	[tilespmem:$0x18000] =	vst v63  }
0x3b: {  	s19 =	sadd.s32 $0x1, s19;
	_ =	swait.ge [sflag:s13], $0x2800  }
0x3c: {  	p0 =	sne.s32 s19, $0xA;
	[sflag:s13] =	ssyncset.done $0x0  }
.Ltmp2:
0x3d: {  	[sflag:s13] =	ssyncadd.s32 $0xFFFFD800;
	(pc) =	sbr.rel @p0 .LBB2_2-.Ltmp2, $4  }
0x3e: {  	[spmem:s1] =	stream.indirect.scatter.add.f32 [tilespmem:s18], [sflag:$0x1], $0x80, s20, s17, $0xb8;
	[tilespmem:$0x18000] =	vst v63  }
0x3f: {  	_ =	swait.ge [sflag:s13], $0x2800  }
0x40: {  	[sflag:s13] =	ssyncset.done $0x0  }
0x41: {  	[sflag:s13] =	ssyncadd.s32 $0xFFFFD800  }
0x42: {  	s3 =	sadd.s32 $0x1, s3  }
0x43: {  	p0 =	sne.s32 s3, s11  }
.Ltmp3:
0x44: {  	[bflag:$0x0] =	sbarrier.arrive $0xFFFF;
	(pc) =	sbr.rel @p0 .LBB2_1-.Ltmp3, $4  }
0x45: {  	[hbm:s10], [sflag:s7] =	dma.local [spmem:s12], $0x2800  }
0x46: {  	_ =	swait.ge [sflag:s13], $0x2800  }
0x47: {  	[sflag:s13] =	ssyncset.done $0x0  }
0x48: {  	[sflag:s13] =	ssyncadd.s32 $0xFFFFD800  }
0x49: {  	_ =	sfence.sel $0x180000  }
0x4a: {  	[bflag:$0x0] =	sbarrier.arrive $0xFFFF  }
0x4b: {  	p0 =	sne.s32 s2, $0x0;
	_ =	strace $0x90000050  }
0x4c: {  	s0 =	sadd.s32 @!p0 $0x100000, s0;
	[bflag:$0x2] =	sbarrier.arrive $0xFFFF  }
0x4d: {  	[sflag:s0] =	ssyncadd.tile.s32 @!p0 $0x1;
	_ =	shalt  }
.Lfunc_end2:
_tile_overlayer_lowered:
.L_overlay_start_2:
0x4e: {  	(tag) =	ssettag $0x2  }
0x4f: {  	s0 =	rddreg [dreg:$0x0];
	s2 =	stileid.u32  }
0x50: {  	s1 =	rddreg [dreg:$0x1];
	p0 =	sne.s32 s2, $0x0  }
0x51: {  	s3 =	rddreg [dreg:$0x2];
	[bflag:$0x3] =	sbarrier.arrive $0xFFFF;
	s2 =	simm.s32 @!p0 $0x1C01  }
0x52: {  	[timem:s3], [sflag:s2] =	dma.local @!p0 [hbm:s0], s1  }
0x53: {  	s0 =	simm.s32 @!p0 $0x1  }
0x54: {  	_ =	swait.ge @!p0 [sflag:s0], s1  }
0x55: {  	s1 =	ssub.s32 @!p0 $0x0, s1;
	[sflag:s0] =	ssyncset.done @!p0 $0x0  }
0x56: {  	[sflag:s0] =	ssyncadd.s32 @!p0 s1  }
0x57: {  	[bflag:$0x3] =	sbarrier.arrive $0xFFFF  }
0x58: {  	_ =	shalt  }

</sc_bundles>
